<compile_context>
chip_gen: v7x
topology: tpu7x:2x2x1
jax: 0.10.2.dev20260603
libtpu: 0.0.44.dev20260713+nightly
codegen_flags: <defaults>
</compile_context>

<pallas_src>
import jax
import jax.numpy as jnp
from jax import lax
from jax.experimental import pallas as pl
from jax.experimental.pallas import tpu as pltpu
from jax.experimental.pallas import tpu_sc as plsc

DIM = 768
NC, NS, LANES = 2, 16, 16
NW = NC * NS
N_PIX = 16 * 32 * 32
PPT = N_PIX // NW
CHUNK = 16
NCHUNK = PPT // CHUNK
NBUF = 4
VPR = DIM // LANES


def _sc_body(w_hbm, x_hbm, idx_hbm, out_hbm,
             idx_v, w_bufs, x_bufs, acc_v,
             sem_w, sem_x, sem_idx, sem_out):
    wid = lax.axis_index("s") * NC + lax.axis_index("c")
    p0 = wid * PPT

    pltpu.make_async_copy(idx_hbm.at[pl.ds(p0, PPT)], idx_v, sem_idx).start()
    pltpu.make_async_copy(idx_hbm.at[pl.ds(p0, PPT)], idx_v, sem_idx).wait()

    def fire(j, slot):
        idx_chunk = idx_v.at[pl.ds(j * CHUNK, CHUNK)]
        pltpu.make_async_copy(w_hbm.at[idx_chunk], w_bufs.at[slot],
                              sem_w.at[slot]).start()
        pltpu.make_async_copy(x_hbm.at[pl.ds(p0 + j * CHUNK, CHUNK)],
                              x_bufs.at[slot], sem_x.at[slot]).start()

    def drain(j, slot):
        idx_chunk = idx_v.at[pl.ds(j * CHUNK, CHUNK)]
        pltpu.make_async_copy(w_hbm.at[idx_chunk], w_bufs.at[slot],
                              sem_w.at[slot]).wait()
        pltpu.make_async_copy(x_hbm.at[pl.ds(p0 + j * CHUNK, CHUNK)],
                              x_bufs.at[slot], sem_x.at[slot]).wait()

    def compute(slot):
        def pixel(p, accs):
            cur = list(accs)
            for i in range(VPR):
                wv = w_bufs[slot, p, pl.ds(i * LANES, LANES)]
                xv = x_bufs[slot, p, pl.ds(i * LANES, LANES)]
                d = wv - xv
                cur[i % 4] = cur[i % 4] + d * d
            return tuple(cur)

        zero = jnp.zeros((LANES,), jnp.float32)
        a = lax.fori_loop(0, CHUNK, pixel, (zero, zero, zero, zero))
        return (a[0] + a[1]) + (a[2] + a[3])

    acc_v[...] = jnp.zeros((LANES,), jnp.float32)
    for b in range(NBUF - 1):
        fire(b, b)

    def step(j, carry):
        nxt = j + NBUF - 1

        @pl.when(nxt < NCHUNK)
        def _():
            fire(nxt, nxt % NBUF)

        drain(j, j % NBUF)
        acc_v[...] = acc_v[...] + compute(j % NBUF)
        return carry

    lax.fori_loop(0, NCHUNK, step, 0)
    pltpu.make_async_copy(acc_v, out_hbm.at[wid], sem_out).start()
    pltpu.make_async_copy(acc_v, out_hbm.at[wid], sem_out).wait()


@jax.jit
def kernel(x, gt, weight):
    B, C, H, W = x.shape
    xt = jnp.transpose(x, (0, 2, 3, 1)).reshape(B * H * W, C)
    idx = gt.reshape(B * H * W).astype(jnp.int32)

    sc = pl.kernel(
        _sc_body,
        out_type=jax.ShapeDtypeStruct((NW, LANES), jnp.float32),
        mesh=plsc.VectorSubcoreMesh(core_axis_name="c", subcore_axis_name="s"),
        compiler_params=pltpu.CompilerParams(needs_layout_passes=False),
        scratch_types=[
            pltpu.VMEM((PPT,), jnp.int32),
            pltpu.VMEM((NBUF, CHUNK, DIM), jnp.float32),
            pltpu.VMEM((NBUF, CHUNK, DIM), jnp.float32),
            pltpu.VMEM((LANES,), jnp.float32),
            pltpu.SemaphoreType.DMA((NBUF,)),
            pltpu.SemaphoreType.DMA((NBUF,)),
            pltpu.SemaphoreType.DMA,
            pltpu.SemaphoreType.DMA,
        ],
    )
    partials = sc(weight, xt, idx)
    loss = jnp.sum(partials) / (B * C * H * W)
    return loss.reshape(1)

# --- scband reference (transcript-rebuilt; emitter-appended) ---
"""Pipeline reference for scband-euclidean-prototype-loss-45827301048860 (READ-ONLY COPY).

The authoritative reference and input builder live on the scoring server;
editing this copy changes nothing except your own understanding.
"""

import jax, jax.numpy as jnp
import numpy as np

NUM_CLASSES = 8192
EMBED_DIM = 768

def setup_inputs(seed: int = 0) -> dict:
    key = jax.random.key(seed)
    k1, k2, k3 = jax.random.split(key, 3)
    x = jax.random.normal(k1, (16, 768, 32, 32), dtype=jnp.float32)
    gt = jax.random.randint(k2, (16, 1, 32, 32), 0, NUM_CLASSES, dtype=jnp.int64)
    # learned embedding table, init='normal' -> standard normal init
    weight = jax.random.normal(k3, (NUM_CLASSES, EMBED_DIM), dtype=jnp.float32)
    return {"x": x, "gt": gt, "weight": weight}

def reference(x, gt, weight):
    # gt is [B,1,H,W]; spatial size already matches x so nearest interpolation is identity
    # class_feat = embedding.weight.data[gt].permute(0,4,2,3,1).squeeze(-1), detached
    class_feat = jnp.take(weight, gt, axis=0)              # [B,1,H,W,C]
    class_feat = jnp.transpose(class_feat, (0, 4, 2, 3, 1))  # [B,C,H,W,1]
    class_feat = jnp.squeeze(class_feat, axis=-1)            # [B,C,H,W]
    class_feat = jax.lax.stop_gradient(class_feat)
    loss = jnp.array([0.0], dtype=jnp.float32) + jnp.mean((class_feat - x) ** 2)
    return loss

if __name__ == "__main__":
    import jax
    _d = setup_inputs()
    print(jax.jit(kernel)(*tuple(_d.values())))

</pallas_src>

<mosaic_0001>
#map = affine_map<(d0, d1) -> (0, 0)>
#map1 = affine_map<(d0, d1) -> (0)>
module attributes {stable_mosaic.version = 14 : i64} {
  func.func @_sc_body(%arg0: i32, %arg1: i32, %arg2: memref<8192x768xf32, #tpu.memory_space<hbm>>, %arg3: memref<16384x768xf32, #tpu.memory_space<hbm>>, %arg4: memref<16384xi32, #tpu.memory_space<hbm>>, %arg5: memref<32x16xf32, #tpu.memory_space<hbm>>, %arg6: memref<512xi32, #tpu.memory_space<vmem>>, %arg7: memref<4x16x768xf32, #tpu.memory_space<vmem>>, %arg8: memref<4x16x768xf32, #tpu.memory_space<vmem>>, %arg9: memref<16xf32, #tpu.memory_space<vmem>>, %arg10: memref<4x!tpu.dma_semaphore, #tpu.memory_space<semaphore_mem>>, %arg11: memref<4x!tpu.dma_semaphore, #tpu.memory_space<semaphore_mem>>, %arg12: memref<!tpu.dma_semaphore, #tpu.memory_space<semaphore_mem>>, %arg13: memref<!tpu.dma_semaphore, #tpu.memory_space<semaphore_mem>>) attributes {dimension_semantics = [#tpu.dimension_semantics<core_parallel>, #tpu.dimension_semantics<subcore_parallel>], iteration_bounds = array<i64: 2, 16>, scalar_prefetch = 0 : i64, scratch_operands = 8 : i64, tpu.core_type = #tpu.core_type<sc_vector_subcore>, window_params = [{transform_indices = #map}, {transform_indices = #map}, {transform_indices = #map1}, {transform_indices = #map}]} {
    %mul3A = arith.constant 2 : i32
    %mul3A_0 = arith.muli %arg1, %mul3A : i32
    %add3A = arith.addi %mul3A_0, %arg0 : i32
    %mul3A_1 = arith.constant 512 : i32
    %mul3A_2 = arith.muli %add3A, %mul3A_1 : i32
    %dma_start3A = tpu.memref_slice %arg4[%mul3A_2] : memref<16384xi32, #tpu.memory_space<hbm>> -> memref<512xi32, #tpu.memory_space<hbm>>
    %dma_start3A_3 = tpu.memref_slice %arg4[%mul3A_2] : memref<16384xi32, #tpu.memory_space<hbm>> -> memref<512xi32, #tpu.memory_space<hbm>>
    tpu.enqueue_dma source(%dma_start3A_3 : memref<512xi32, #tpu.memory_space<hbm>>) target(%arg6 : memref<512xi32, #tpu.memory_space<vmem>>) target_semaphore(%arg12 : memref<!tpu.dma_semaphore, #tpu.memory_space<semaphore_mem>>)
    %dma_wait3A = tpu.memref_slice %arg4[%mul3A_2] : memref<16384xi32, #tpu.memory_space<hbm>> -> memref<512xi32, #tpu.memory_space<hbm>>
    %dma_wait3A_4 = tpu.memref_slice %arg4[%mul3A_2] : memref<16384xi32, #tpu.memory_space<hbm>> -> memref<512xi32, #tpu.memory_space<hbm>>
    tpu.wait_dma2 semaphore(%arg12 : memref<!tpu.dma_semaphore, #tpu.memory_space<semaphore_mem>>) src(%dma_wait3A_4 : memref<512xi32, #tpu.memory_space<hbm>>) dst(%arg6 : memref<512xi32, #tpu.memory_space<vmem>>)
    %broadcast_in_dim3A = arith.constant 0.000000e+00 : f32
    %broadcast_in_dim3A_5 = vector.broadcast %broadcast_in_dim3A : f32 to vector<16xf32>
    %swap3A = arith.constant 0 : index
    %swap3A_6 = tpu.vector_load %arg9[%swap3A] {strides = array<i32>} : memref<16xf32, #tpu.memory_space<vmem>>, vector<16xf32>,
    tpu.vector_store %arg9[%swap3A], %broadcast_in_dim3A_5 {strides = array<i32>} : memref<16xf32, #tpu.memory_space<vmem>>, vector<16xf32>,
    %dma_start3A_7 = arith.constant 0 : i32
    %dma_start3A_8 = arith.constant 0 : i32
    %dma_start3A_9 = arith.constant 0 : i32
    %dma_start3A_10 = arith.constant 0 : i32
    %dma_start3A_11 = tpu.memref_slice %arg7[%dma_start3A_7, %dma_start3A_9, %dma_start3A_10] : memref<4x16x768xf32, #tpu.memory_space<vmem>> -> memref<1x16x768xf32, #tpu.memory_space<vmem>>
    %dma_start3A_12 = tpu.memref_squeeze %dma_start3A_11 : memref<1x16x768xf32, #tpu.memory_space<vmem>> -> memref<16x768xf32, #tpu.memory_space<vmem>>
    %dma_start3A_13 = arith.constant 0 : i32
    %dma_start3A_14 = tpu.memref_slice %arg6[%dma_start3A_13] : memref<512xi32, #tpu.memory_space<vmem>> -> memref<16xi32, #tpu.memory_space<vmem>>
    %dma_start3A_15 = arith.constant 0 : i32
    %dma_start3A_16 = arith.constant 0 : i32
    %dma_start3A_17 = tpu.memref_slice %arg2[%dma_start3A_15, %dma_start3A_16] : memref<8192x768xf32, #tpu.memory_space<hbm>> -> memref<8192x768xf32, #tpu.memory_space<hbm>>
    %dma_start3A_18 = tpu.memref_slice %arg10[%dma_start3A_8] : memref<4x!tpu.dma_semaphore, #tpu.memory_space<semaphore_mem>> -> memref<1x!tpu.dma_semaphore, #tpu.memory_space<semaphore_mem>>
    %dma_start3A_19 = tpu.memref_squeeze %dma_start3A_18 : memref<1x!tpu.dma_semaphore, #tpu.memory_space<semaphore_mem>> -> memref<!tpu.dma_semaphore, #tpu.memory_space<semaphore_mem>>
    tpu.enqueue_indirect_dma source(%dma_start3A_17 : memref<8192x768xf32, #tpu.memory_space<hbm>>) target(%dma_start3A_12 : memref<16x768xf32, #tpu.memory_space<vmem>>) offsets(%dma_start3A_14 : memref<16xi32, #tpu.memory_space<vmem>>) semaphore(%dma_start3A_19 : memref<!tpu.dma_semaphore, #tpu.memory_space<semaphore_mem>>)
    %add3A_20 = arith.constant 0 : i32
    %add3A_21 = arith.addi %mul3A_2, %add3A_20 : i32
    %dma_start3A_22 = arith.constant 0 : i32
    %dma_start3A_23 = arith.constant 0 : i32
    %dma_start3A_24 = arith.constant 0 : i32
    %dma_start3A_25 = arith.constant 0 : i32
    %dma_start3A_26 = tpu.memref_slice %arg8[%dma_start3A_22, %dma_start3A_24, %dma_start3A_25] : memref<4x16x768xf32, #tpu.memory_space<vmem>> -> memref<1x16x768xf32, #tpu.memory_space<vmem>>
    %dma_start3A_27 = tpu.memref_squeeze %dma_start3A_26 : memref<1x16x768xf32, #tpu.memory_space<vmem>> -> memref<16x768xf32, #tpu.memory_space<vmem>>
    %dma_start3A_28 = arith.constant 0 : i32
    %dma_start3A_29 = tpu.memref_slice %arg3[%add3A_21, %dma_start3A_28] : memref<16384x768xf32, #tpu.memory_space<hbm>> -> memref<16x768xf32, #tpu.memory_space<hbm>>
    %dma_start3A_30 = tpu.memref_slice %arg11[%dma_start3A_23] : memref<4x!tpu.dma_semaphore, #tpu.memory_space<semaphore_mem>> -> memref<1x!tpu.dma_semaphore, #tpu.memory_space<semaphore_mem>>
    %dma_start3A_31 = tpu.memref_squeeze %dma_start3A_30 : memref<1x!tpu.dma_semaphore, #tpu.memory_space<semaphore_mem>> -> memref<!tpu.dma_semaphore, #tpu.memory_space<semaphore_mem>>
    %dma_start3A_32 = arith.constant 0 : i32
    %dma_start3A_33 = arith.constant 0 : i32
    %dma_start3A_34 = tpu.memref_slice %arg8[%dma_start3A_22, %dma_start3A_32, %dma_start3A_33] : memref<4x16x768xf32, #tpu.memory_space<vmem>> -> memref<1x16x768xf32, #tpu.memory_space<vmem>>
    %dma_start3A_35 = tpu.memref_squeeze %dma_start3A_34 : memref<1x16x768xf32, #tpu.memory_space<vmem>> -> memref<16x768xf32, #tpu.memory_space<vmem>>
    %dma_start3A_36 = arith.constant 0 : i32
    %dma_start3A_37 = tpu.memref_slice %arg3[%add3A_21, %dma_start3A_36] : memref<16384x768xf32, #tpu.memory_space<hbm>> -> memref<16x768xf32, #tpu.memory_space<hbm>>
    tpu.enqueue_dma source(%dma_start3A_37 : memref<16x768xf32, #tpu.memory_space<hbm>>) target(%dma_start3A_35 : memref<16x768xf32, #tpu.memory_space<vmem>>) target_semaphore(%dma_start3A_31 : memref<!tpu.dma_semaphore, #tpu.memory_space<semaphore_mem>>)
    %dma_start3A_38 = arith.constant 1 : i32
    %dma_start3A_39 = arith.constant 1 : i32
    %dma_start3A_40 = arith.constant 0 : i32
    %dma_start3A_41 = arith.constant 0 : i32
    %dma_start3A_42 = tpu.memref_slice %arg7[%dma_start3A_38, %dma_start3A_40, %dma_start3A_41] : memref<4x16x768xf32, #tpu.memory_space<vmem>> -> memref<1x16x768xf32, #tpu.memory_space<vmem>>
    %dma_start3A_43 = tpu.memref_squeeze %dma_start3A_42 : memref<1x16x768xf32, #tpu.memory_space<vmem>> -> memref<16x768xf32, #tpu.memory_space<vmem>>
    %dma_start3A_44 = arith.constant 16 : i32
    %dma_start3A_45 = tpu.memref_slice %arg6[%dma_start3A_44] : memref<512xi32, #tpu.memory_space<vmem>> -> memref<16xi32, #tpu.memory_space<vmem>>
    %dma_start3A_46 = arith.constant 0 : i32
    %dma_start3A_47 = arith.constant 0 : i32
    %dma_start3A_48 = tpu.memref_slice %arg2[%dma_start3A_46, %dma_start3A_47] : memref<8192x768xf32, #tpu.memory_space<hbm>> -> memref<8192x768xf32, #tpu.memory_space<hbm>>
    %dma_start3A_49 = tpu.memref_slice %arg10[%dma_start3A_39] : memref<4x!tpu.dma_semaphore, #tpu.memory_space<semaphore_mem>> -> memref<1x!tpu.dma_semaphore, #tpu.memory_space<semaphore_mem>>
    %dma_start3A_50 = tpu.memref_squeeze %dma_start3A_49 : memref<1x!tpu.dma_semaphore, #tpu.memory_space<semaphore_mem>> -> memref<!tpu.dma_semaphore, #tpu.memory_space<semaphore_mem>>
    tpu.enqueue_indirect_dma source(%dma_start3A_48 : memref<8192x768xf32, #tpu.memory_space<hbm>>) target(%dma_start3A_43 : memref<16x768xf32, #tpu.memory_space<vmem>>) offsets(%dma_start3A_45 : memref<16xi32, #tpu.memory_space<vmem>>) semaphore(%dma_start3A_50 : memref<!tpu.dma_semaphore, #tpu.memory_space<semaphore_mem>>)
    %add3A_51 = arith.constant 16 : i32
    %add3A_52 = arith.addi %mul3A_2, %add3A_51 : i32
    %dma_start3A_53 = arith.constant 1 : i32
    %dma_start3A_54 = arith.constant 1 : i32
    %dma_start3A_55 = arith.constant 0 : i32
    %dma_start3A_56 = arith.constant 0 : i32
    %dma_start3A_57 = tpu.memref_slice %arg8[%dma_start3A_53, %dma_start3A_55, %dma_start3A_56] : memref<4x16x768xf32, #tpu.memory_space<vmem>> -> memref<1x16x768xf32, #tpu.memory_space<vmem>>
    %dma_start3A_58 = tpu.memref_squeeze %dma_start3A_57 : memref<1x16x768xf32, #tpu.memory_space<vmem>> -> memref<16x768xf32, #tpu.memory_space<vmem>>
    %dma_start3A_59 = arith.constant 0 : i32
    %dma_start3A_60 = tpu.memref_slice %arg3[%add3A_52, %dma_start3A_59] : memref<16384x768xf32, #tpu.memory_space<hbm>> -> memref<16x768xf32, #tpu.memory_space<hbm>>
    %dma_start3A_61 = tpu.memref_slice %arg11[%dma_start3A_54] : memref<4x!tpu.dma_semaphore, #tpu.memory_space<semaphore_mem>> -> memref<1x!tpu.dma_semaphore, #tpu.memory_space<semaphore_mem>>
    %dma_start3A_62 = tpu.memref_squeeze %dma_start3A_61 : memref<1x!tpu.dma_semaphore, #tpu.memory_space<semaphore_mem>> -> memref<!tpu.dma_semaphore, #tpu.memory_space<semaphore_mem>>
    %dma_start3A_63 = arith.constant 0 : i32
    %dma_start3A_64 = arith.constant 0 : i32
    %dma_start3A_65 = tpu.memref_slice %arg8[%dma_start3A_53, %dma_start3A_63, %dma_start3A_64] : memref<4x16x768xf32, #tpu.memory_space<vmem>> -> memref<1x16x768xf32, #tpu.memory_space<vmem>>
    %dma_start3A_66 = tpu.memref_squeeze %dma_start3A_65 : memref<1x16x768xf32, #tpu.memory_space<vmem>> -> memref<16x768xf32, #tpu.memory_space<vmem>>
    %dma_start3A_67 = arith.constant 0 : i32
    %dma_start3A_68 = tpu.memref_slice %arg3[%add3A_52, %dma_start3A_67] : memref<16384x768xf32, #tpu.memory_space<hbm>> -> memref<16x768xf32, #tpu.memory_space<hbm>>
    tpu.enqueue_dma source(%dma_start3A_68 : memref<16x768xf32, #tpu.memory_space<hbm>>) target(%dma_start3A_66 : memref<16x768xf32, #tpu.memory_space<vmem>>) target_semaphore(%dma_start3A_62 : memref<!tpu.dma_semaphore, #tpu.memory_space<semaphore_mem>>)
    %dma_start3A_69 = arith.constant 2 : i32
    %dma_start3A_70 = arith.constant 2 : i32
    %dma_start3A_71 = arith.constant 0 : i32
    %dma_start3A_72 = arith.constant 0 : i32
    %dma_start3A_73 = tpu.memref_slice %arg7[%dma_start3A_69, %dma_start3A_71, %dma_start3A_72] : memref<4x16x768xf32, #tpu.memory_space<vmem>> -> memref<1x16x768xf32, #tpu.memory_space<vmem>>
    %dma_start3A_74 = tpu.memref_squeeze %dma_start3A_73 : memref<1x16x768xf32, #tpu.memory_space<vmem>> -> memref<16x768xf32, #tpu.memory_space<vmem>>
    %dma_start3A_75 = arith.constant 32 : i32
    %dma_start3A_76 = tpu.memref_slice %arg6[%dma_start3A_75] : memref<512xi32, #tpu.memory_space<vmem>> -> memref<16xi32, #tpu.memory_space<vmem>>
    %dma_start3A_77 = arith.constant 0 : i32
    %dma_start3A_78 = arith.constant 0 : i32
    %dma_start3A_79 = tpu.memref_slice %arg2[%dma_start3A_77, %dma_start3A_78] : memref<8192x768xf32, #tpu.memory_space<hbm>> -> memref<8192x768xf32, #tpu.memory_space<hbm>>
    %dma_start3A_80 = tpu.memref_slice %arg10[%dma_start3A_70] : memref<4x!tpu.dma_semaphore, #tpu.memory_space<semaphore_mem>> -> memref<1x!tpu.dma_semaphore, #tpu.memory_space<semaphore_mem>>
    %dma_start3A_81 = tpu.memref_squeeze %dma_start3A_80 : memref<1x!tpu.dma_semaphore, #tpu.memory_space<semaphore_mem>> -> memref<!tpu.dma_semaphore, #tpu.memory_space<semaphore_mem>>
    tpu.enqueue_indirect_dma source(%dma_start3A_79 : memref<8192x768xf32, #tpu.memory_space<hbm>>) target(%dma_start3A_74 : memref<16x768xf32, #tpu.memory_space<vmem>>) offsets(%dma_start3A_76 : memref<16xi32, #tpu.memory_space<vmem>>) semaphore(%dma_start3A_81 : memref<!tpu.dma_semaphore, #tpu.memory_space<semaphore_mem>>)
    %add3A_82 = arith.constant 32 : i32
    %add3A_83 = arith.addi %mul3A_2, %add3A_82 : i32
    %dma_start3A_84 = arith.constant 2 : i32
    %dma_start3A_85 = arith.constant 2 : i32
    %dma_start3A_86 = arith.constant 0 : i32
    %dma_start3A_87 = arith.constant 0 : i32
    %dma_start3A_88 = tpu.memref_slice %arg8[%dma_start3A_84, %dma_start3A_86, %dma_start3A_87] : memref<4x16x768xf32, #tpu.memory_space<vmem>> -> memref<1x16x768xf32, #tpu.memory_space<vmem>>
    %dma_start3A_89 = tpu.memref_squeeze %dma_start3A_88 : memref<1x16x768xf32, #tpu.memory_space<vmem>> -> memref<16x768xf32, #tpu.memory_space<vmem>>
    %dma_start3A_90 = arith.constant 0 : i32
    %dma_start3A_91 = tpu.memref_slice %arg3[%add3A_83, %dma_start3A_90] : memref<16384x768xf32, #tpu.memory_space<hbm>> -> memref<16x768xf32, #tpu.memory_space<hbm>>
    %dma_start3A_92 = tpu.memref_slice %arg11[%dma_start3A_85] : memref<4x!tpu.dma_semaphore, #tpu.memory_space<semaphore_mem>> -> memref<1x!tpu.dma_semaphore, #tpu.memory_space<semaphore_mem>>
    %dma_start3A_93 = tpu.memref_squeeze %dma_start3A_92 : memref<1x!tpu.dma_semaphore, #tpu.memory_space<semaphore_mem>> -> memref<!tpu.dma_semaphore, #tpu.memory_space<semaphore_mem>>
    %dma_start3A_94 = arith.constant 0 : i32
    %dma_start3A_95 = arith.constant 0 : i32
    %dma_start3A_96 = tpu.memref_slice %arg8[%dma_start3A_84, %dma_start3A_94, %dma_start3A_95] : memref<4x16x768xf32, #tpu.memory_space<vmem>> -> memref<1x16x768xf32, #tpu.memory_space<vmem>>
    %dma_start3A_97 = tpu.memref_squeeze %dma_start3A_96 : memref<1x16x768xf32, #tpu.memory_space<vmem>> -> memref<16x768xf32, #tpu.memory_space<vmem>>
    %dma_start3A_98 = arith.constant 0 : i32
    %dma_start3A_99 = tpu.memref_slice %arg3[%add3A_83, %dma_start3A_98] : memref<16384x768xf32, #tpu.memory_space<hbm>> -> memref<16x768xf32, #tpu.memory_space<hbm>>
    tpu.enqueue_dma source(%dma_start3A_99 : memref<16x768xf32, #tpu.memory_space<hbm>>) target(%dma_start3A_97 : memref<16x768xf32, #tpu.memory_space<vmem>>) target_semaphore(%dma_start3A_93 : memref<!tpu.dma_semaphore, #tpu.memory_space<semaphore_mem>>)
    %scan3A = arith.constant 0 : i32
    %scan3A_100 = arith.constant 0 : i32
    %scan3A_101 = arith.constant 32 : i32
    %scan3A_102 = arith.addi %scan3A_100, %scan3A_101 : i32
    %scan3A_103 = arith.constant 1 : i32
    scf.for %scan3A_117 = %scan3A_100 to %scan3A_102 step %scan3A_103  : i32 {
      %add3A_118 = arith.constant 4 : i32
      %add3A_119 = arith.addi %scan3A_117, %add3A_118 : i32
      %sub3A = arith.constant 1 : i32
      %sub3A_120 = arith.subi %add3A_119, %sub3A : i32
      %lt3A = arith.constant 32 : i32
      %lt3A_121 = arith.cmpi slt, %sub3A_120, %lt3A : i32
      %convert_element_type3A = arith.extui %lt3A_121 : i1 to i32
      %cond3A = arith.constant 0 : i32
      %cond3A_122 = arith.cmpi ne, %convert_element_type3A, %cond3A : i32
      scf.if %cond3A_122 {
        %jit3A_193 = arith.constant 4 : i32
        %eq3A_194 = arith.constant 0 : i32
        %eq3A_195 = arith.cmpi eq, %jit3A_193, %eq3A_194 : i32
        %jit3A_196 = arith.constant 1 : i32
        %select_n3A_197 = arith.select %eq3A_195, %jit3A_196, %jit3A_193 : i32
        %rem3A_198 = arith.remsi %sub3A_120, %select_n3A_197 : i32
        %ne3A_199 = arith.constant 0 : i32
        %ne3A_200 = arith.cmpi ne, %rem3A_198, %ne3A_199 : i32
        %lt3A_201 = arith.constant 0 : i32
        %lt3A_202 = arith.cmpi slt, %rem3A_198, %lt3A_201 : i32
        %lt3A_203 = arith.constant 0 : i32
        %lt3A_204 = arith.cmpi slt, %select_n3A_197, %lt3A_203 : i32
        %ne3A_205 = arith.xori %lt3A_202, %lt3A_204 : i1
        %and3A_206 = arith.andi %ne3A_205, %ne3A_200 : i1
        %add3A_207 = arith.addi %rem3A_198, %select_n3A_197 : i32
        %select_n3A_208 = arith.select %and3A_206, %add3A_207, %rem3A_198 : i32
        %mul3A_209 = arith.constant 16 : i32
        %mul3A_210 = arith.muli %sub3A_120, %mul3A_209 : i32
        %dma_start3A_211 = arith.constant 0 : i32
        %dma_start3A_212 = arith.constant 0 : i32
        %dma_start3A_213 = tpu.memref_slice %arg7[%select_n3A_208, %dma_start3A_211, %dma_start3A_212] : memref<4x16x768xf32, #tpu.memory_space<vmem>> -> memref<1x16x768xf32, #tpu.memory_space<vmem>>
        %dma_start3A_214 = tpu.memref_squeeze %dma_start3A_213 : memref<1x16x768xf32, #tpu.memory_space<vmem>> -> memref<16x768xf32, #tpu.memory_space<vmem>>
        %dma_start3A_215 = tpu.memref_slice %arg6[%mul3A_210] : memref<512xi32, #tpu.memory_space<vmem>> -> memref<16xi32, #tpu.memory_space<vmem>>
        %dma_start3A_216 = arith.constant 0 : i32
        %dma_start3A_217 = arith.constant 0 : i32
        %dma_start3A_218 = tpu.memref_slice %arg2[%dma_start3A_216, %dma_start3A_217] : memref<8192x768xf32, #tpu.memory_space<hbm>> -> memref<8192x768xf32, #tpu.memory_space<hbm>>
        %dma_start3A_219 = tpu.memref_slice %arg10[%select_n3A_208] : memref<4x!tpu.dma_semaphore, #tpu.memory_space<semaphore_mem>> -> memref<1x!tpu.dma_semaphore, #tpu.memory_space<semaphore_mem>>
        %dma_start3A_220 = tpu.memref_squeeze %dma_start3A_219 : memref<1x!tpu.dma_semaphore, #tpu.memory_space<semaphore_mem>> -> memref<!tpu.dma_semaphore, #tpu.memory_space<semaphore_mem>>
        tpu.enqueue_indirect_dma source(%dma_start3A_218 : memref<8192x768xf32, #tpu.memory_space<hbm>>) target(%dma_start3A_214 : memref<16x768xf32, #tpu.memory_space<vmem>>) offsets(%dma_start3A_215 : memref<16xi32, #tpu.memory_space<vmem>>) semaphore(%dma_start3A_220 : memref<!tpu.dma_semaphore, #tpu.memory_space<semaphore_mem>>)
        %mul3A_221 = arith.constant 16 : i32
        %mul3A_222 = arith.muli %sub3A_120, %mul3A_221 : i32
        %add3A_223 = arith.addi %mul3A_2, %mul3A_222 : i32
        %dma_start3A_224 = arith.constant 0 : i32
        %dma_start3A_225 = arith.constant 0 : i32
        %dma_start3A_226 = tpu.memref_slice %arg8[%select_n3A_208, %dma_start3A_224, %dma_start3A_225] : memref<4x16x768xf32, #tpu.memory_space<vmem>> -> memref<1x16x768xf32, #tpu.memory_space<vmem>>
        %dma_start3A_227 = tpu.memref_squeeze %dma_start3A_226 : memref<1x16x768xf32, #tpu.memory_space<vmem>> -> memref<16x768xf32, #tpu.memory_space<vmem>>
        %dma_start3A_228 = arith.constant 0 : i32
        %dma_start3A_229 = tpu.memref_slice %arg3[%add3A_223, %dma_start3A_228] : memref<16384x768xf32, #tpu.memory_space<hbm>> -> memref<16x768xf32, #tpu.memory_space<hbm>>
        %dma_start3A_230 = tpu.memref_slice %arg11[%select_n3A_208] : memref<4x!tpu.dma_semaphore, #tpu.memory_space<semaphore_mem>> -> memref<1x!tpu.dma_semaphore, #tpu.memory_space<semaphore_mem>>
        %dma_start3A_231 = tpu.memref_squeeze %dma_start3A_230 : memref<1x!tpu.dma_semaphore, #tpu.memory_space<semaphore_mem>> -> memref<!tpu.dma_semaphore, #tpu.memory_space<semaphore_mem>>
        %dma_start3A_232 = arith.constant 0 : i32
        %dma_start3A_233 = arith.constant 0 : i32
        %dma_start3A_234 = tpu.memref_slice %arg8[%select_n3A_208, %dma_start3A_232, %dma_start3A_233] : memref<4x16x768xf32, #tpu.memory_space<vmem>> -> memref<1x16x768xf32, #tpu.memory_space<vmem>>
        %dma_start3A_235 = tpu.memref_squeeze %dma_start3A_234 : memref<1x16x768xf32, #tpu.memory_space<vmem>> -> memref<16x768xf32, #tpu.memory_space<vmem>>
        %dma_start3A_236 = arith.constant 0 : i32
        %dma_start3A_237 = tpu.memref_slice %arg3[%add3A_223, %dma_start3A_236] : memref<16384x768xf32, #tpu.memory_space<hbm>> -> memref<16x768xf32, #tpu.memory_space<hbm>>
        tpu.enqueue_dma source(%dma_start3A_237 : memref<16x768xf32, #tpu.memory_space<hbm>>) target(%dma_start3A_235 : memref<16x768xf32, #tpu.memory_space<vmem>>) target_semaphore(%dma_start3A_231 : memref<!tpu.dma_semaphore, #tpu.memory_space<semaphore_mem>>)
      } else {
      }
      %jit3A = arith.constant 4 : i32
      %eq3A = arith.constant 0 : i32
      %eq3A_123 = arith.cmpi eq, %jit3A, %eq3A : i32
      %jit3A_124 = arith.constant 1 : i32
      %select_n3A = arith.select %eq3A_123, %jit3A_124, %jit3A : i32
      %rem3A = arith.remsi %scan3A_117, %select_n3A : i32
      %ne3A = arith.constant 0 : i32
      %ne3A_125 = arith.cmpi ne, %rem3A, %ne3A : i32
      %lt3A_126 = arith.constant 0 : i32
      %lt3A_127 = arith.cmpi slt, %rem3A, %lt3A_126 : i32
      %lt3A_128 = arith.constant 0 : i32
      %lt3A_129 = arith.cmpi slt, %select_n3A, %lt3A_128 : i32
      %ne3A_130 = arith.xori %lt3A_127, %lt3A_129 : i1
      %and3A = arith.andi %ne3A_130, %ne3A_125 : i1
      %add3A_131 = arith.addi %rem3A, %select_n3A : i32
      %select_n3A_132 = arith.select %and3A, %add3A_131, %rem3A : i32
      %mul3A_133 = arith.constant 16 : i32
      %mul3A_134 = arith.muli %scan3A_117, %mul3A_133 : i32
      %dma_wait3A_135 = arith.constant 0 : i32
      %dma_wait3A_136 = arith.constant 0 : i32
      %dma_wait3A_137 = tpu.memref_slice %arg7[%select_n3A_132, %dma_wait3A_135, %dma_wait3A_136] : memref<4x16x768xf32, #tpu.memory_space<vmem>> -> memref<1x16x768xf32, #tpu.memory_space<vmem>>
      %dma_wait3A_138 = tpu.memref_squeeze %dma_wait3A_137 : memref<1x16x768xf32, #tpu.memory_space<vmem>> -> memref<16x768xf32, #tpu.memory_space<vmem>>
      %dma_wait3A_139 = tpu.memref_slice %arg6[%mul3A_134] : memref<512xi32, #tpu.memory_space<vmem>> -> memref<16xi32, #tpu.memory_space<vmem>>
      %dma_wait3A_140 = arith.constant 0 : i32
      %dma_wait3A_141 = arith.constant 0 : i32
      %dma_wait3A_142 = tpu.memref_slice %arg2[%dma_wait3A_140, %dma_wait3A_141] : memref<8192x768xf32, #tpu.memory_space<hbm>> -> memref<8192x768xf32, #tpu.memory_space<hbm>>
      %dma_wait3A_143 = tpu.memref_slice %arg10[%select_n3A_132] : memref<4x!tpu.dma_semaphore, #tpu.memory_space<semaphore_mem>> -> memref<1x!tpu.dma_semaphore, #tpu.memory_space<semaphore_mem>>
      %dma_wait3A_144 = tpu.memref_squeeze %dma_wait3A_143 : memref<1x!tpu.dma_semaphore, #tpu.memory_space<semaphore_mem>> -> memref<!tpu.dma_semaphore, #tpu.memory_space<semaphore_mem>>
      tpu.wait_indirect_dma semaphore(%dma_wait3A_144 : memref<!tpu.dma_semaphore, #tpu.memory_space<semaphore_mem>>) src(%dma_wait3A_142 : memref<8192x768xf32, #tpu.memory_space<hbm>>) dst(%dma_wait3A_138 : memref<16x768xf32, #tpu.memory_space<vmem>>)
      %mul3A_145 = arith.constant 16 : i32
      %mul3A_146 = arith.muli %scan3A_117, %mul3A_145 : i32
      %add3A_147 = arith.addi %mul3A_2, %mul3A_146 : i32
      %dma_wait3A_148 = arith.constant 0 : i32
      %dma_wait3A_149 = arith.constant 0 : i32
      %dma_wait3A_150 = tpu.memref_slice %arg8[%select_n3A_132, %dma_wait3A_148, %dma_wait3A_149] : memref<4x16x768xf32, #tpu.memory_space<vmem>> -> memref<1x16x768xf32, #tpu.memory_space<vmem>>
      %dma_wait3A_151 = tpu.memref_squeeze %dma_wait3A_150 : memref<1x16x768xf32, #tpu.memory_space<vmem>> -> memref<16x768xf32, #tpu.memory_space<vmem>>
      %dma_wait3A_152 = arith.constant 0 : i32
      %dma_wait3A_153 = tpu.memref_slice %arg3[%add3A_147, %dma_wait3A_152] : memref<16384x768xf32, #tpu.memory_space<hbm>> -> memref<16x768xf32, #tpu.memory_space<hbm>>
      %dma_wait3A_154 = tpu.memref_slice %arg11[%select_n3A_132] : memref<4x!tpu.dma_semaphore, #tpu.memory_space<semaphore_mem>> -> memref<1x!tpu.dma_semaphore, #tpu.memory_space<semaphore_mem>>
      %dma_wait3A_155 = tpu.memref_squeeze %dma_wait3A_154 : memref<1x!tpu.dma_semaphore, #tpu.memory_space<semaphore_mem>> -> memref<!tpu.dma_semaphore, #tpu.memory_space<semaphore_mem>>
      %dma_wait3A_156 = arith.constant 0 : i32
      %dma_wait3A_157 = arith.constant 0 : i32
      %dma_wait3A_158 = tpu.memref_slice %arg8[%select_n3A_132, %dma_wait3A_156, %dma_wait3A_157] : memref<4x16x768xf32, #tpu.memory_space<vmem>> -> memref<1x16x768xf32, #tpu.memory_space<vmem>>
      %dma_wait3A_159 = tpu.memref_squeeze %dma_wait3A_158 : memref<1x16x768xf32, #tpu.memory_space<vmem>> -> memref<16x768xf32, #tpu.memory_space<vmem>>
      %dma_wait3A_160 = arith.constant 0 : i32
      %dma_wait3A_161 = tpu.memref_slice %arg3[%add3A_147, %dma_wait3A_160] : memref<16384x768xf32, #tpu.memory_space<hbm>> -> memref<16x768xf32, #tpu.memory_space<hbm>>
      tpu.wait_dma2 semaphore(%dma_wait3A_155 : memref<!tpu.dma_semaphore, #tpu.memory_space<semaphore_mem>>) src(%dma_wait3A_161 : memref<16x768xf32, #tpu.memory_space<hbm>>) dst(%dma_wait3A_159 : memref<16x768xf32, #tpu.memory_space<vmem>>)
      %get3A = arith.constant 0 : index
      %get3A_162 = tpu.vector_load %arg9[%get3A] {strides = array<i32>} : memref<16xf32, #tpu.memory_space<vmem>>, vector<16xf32>,
      %jit3A_163 = arith.constant 4 : i32
      %eq3A_164 = arith.constant 0 : i32
      %eq3A_165 = arith.cmpi eq, %jit3A_163, %eq3A_164 : i32
      %jit3A_166 = arith.constant 1 : i32
      %select_n3A_167 = arith.select %eq3A_165, %jit3A_166, %jit3A_163 : i32
      %rem3A_168 = arith.remsi %scan3A_117, %select_n3A_167 : i32
      %ne3A_169 = arith.constant 0 : i32
      %ne3A_170 = arith.cmpi ne, %rem3A_168, %ne3A_169 : i32
      %lt3A_171 = arith.constant 0 : i32
      %lt3A_172 = arith.cmpi slt, %rem3A_168, %lt3A_171 : i32
      %lt3A_173 = arith.constant 0 : i32
      %lt3A_174 = arith.cmpi slt, %select_n3A_167, %lt3A_173 : i32
      %ne3A_175 = arith.xori %lt3A_172, %lt3A_174 : i1
      %and3A_176 = arith.andi %ne3A_175, %ne3A_170 : i1
      %add3A_177 = arith.addi %rem3A_168, %select_n3A_167 : i32
      %select_n3A_178 = arith.select %and3A_176, %add3A_177, %rem3A_168 : i32
      %broadcast_in_dim3A_179 = arith.constant 0.000000e+00 : f32
      %broadcast_in_dim3A_180 = vector.broadcast %broadcast_in_dim3A_179 : f32 to vector<16xf32>
      %scan3A_181 = arith.constant 0 : i32
      %scan3A_182 = arith.constant 16 : i32
      %scan3A_183 = arith.addi %scan3A_181, %scan3A_182 : i32
      %scan3A_184 = arith.constant 1 : i32
      %scan3A_185:4 = scf.for %scan3A_193 = %scan3A_181 to %scan3A_183 step %scan3A_184 iter_args(%scan3A_194 = %broadcast_in_dim3A_180, %scan3A_195 = %broadcast_in_dim3A_180, %scan3A_196 = %broadcast_in_dim3A_180, %scan3A_197 = %broadcast_in_dim3A_180) -> (vector<16xf32>, vector<16xf32>, vector<16xf32>, vector<16xf32>)  : i32 {
        %get3A_198 = arith.index_cast %select_n3A_178 : i32 to index
        %get3A_199 = arith.index_cast %scan3A_193 : i32 to index
        %get3A_200 = arith.constant 0 : index
        %get3A_201 = tpu.vector_load %arg7[%get3A_198, %get3A_199, %get3A_200] {strides = array<i32>} : memref<4x16x768xf32, #tpu.memory_space<vmem>>, vector<16xf32>,
        %get3A_202 = arith.index_cast %select_n3A_178 : i32 to index
        %get3A_203 = arith.index_cast %scan3A_193 : i32 to index
        %get3A_204 = arith.constant 0 : index
        %get3A_205 = tpu.vector_load %arg8[%get3A_202, %get3A_203, %get3A_204] {strides = array<i32>} : memref<4x16x768xf32, #tpu.memory_space<vmem>>, vector<16xf32>,
        %sub3A_206 = arith.subf %get3A_201, %get3A_205 : vector<16xf32>
        %mul3A_207 = arith.mulf %sub3A_206, %sub3A_206 : vector<16xf32>
        %add3A_208 = arith.addf %scan3A_194, %mul3A_207 : vector<16xf32>
        %get3A_209 = arith.index_cast %select_n3A_178 : i32 to index
        %get3A_210 = arith.index_cast %scan3A_193 : i32 to index
        %get3A_211 = arith.constant 16 : index
        %get3A_212 = tpu.vector_load %arg7[%get3A_209, %get3A_210, %get3A_211] {strides = array<i32>} : memref<4x16x768xf32, #tpu.memory_space<vmem>>, vector<16xf32>,
        %get3A_213 = arith.index_cast %select_n3A_178 : i32 to index
        %get3A_214 = arith.index_cast %scan3A_193 : i32 to index
        %get3A_215 = arith.constant 16 : index
        %get3A_216 = tpu.vector_load %arg8[%get3A_213, %get3A_214, %get3A_215] {strides = array<i32>} : memref<4x16x768xf32, #tpu.memory_space<vmem>>, vector<16xf32>,
        %sub3A_217 = arith.subf %get3A_212, %get3A_216 : vector<16xf32>
        %mul3A_218 = arith.mulf %sub3A_217, %sub3A_217 : vector<16xf32>
        %add3A_219 = arith.addf %scan3A_195, %mul3A_218 : vector<16xf32>
        %get3A_220 = arith.index_cast %select_n3A_178 : i32 to index
        %get3A_221 = arith.index_cast %scan3A_193 : i32 to index
        %get3A_222 = arith.constant 32 : index
        %get3A_223 = tpu.vector_load %arg7[%get3A_220, %get3A_221, %get3A_222] {strides = array<i32>} : memref<4x16x768xf32, #tpu.memory_space<vmem>>, vector<16xf32>,
        %get3A_224 = arith.index_cast %select_n3A_178 : i32 to index
        %get3A_225 = arith.index_cast %scan3A_193 : i32 to index
        %get3A_226 = arith.constant 32 : index
        %get3A_227 = tpu.vector_load %arg8[%get3A_224, %get3A_225, %get3A_226] {strides = array<i32>} : memref<4x16x768xf32, #tpu.memory_space<vmem>>, vector<16xf32>,
        %sub3A_228 = arith.subf %get3A_223, %get3A_227 : vector<16xf32>
        %mul3A_229 = arith.mulf %sub3A_228, %sub3A_228 : vector<16xf32>
        %add3A_230 = arith.addf %scan3A_196, %mul3A_229 : vector<16xf32>
        %get3A_231 = arith.index_cast %select_n3A_178 : i32 to index
        %get3A_232 = arith.index_cast %scan3A_193 : i32 to index
        %get3A_233 = arith.constant 48 : index
        %get3A_234 = tpu.vector_load %arg7[%get3A_231, %get3A_232, %get3A_233] {strides = array<i32>} : memref<4x16x768xf32, #tpu.memory_space<vmem>>, vector<16xf32>,
        %get3A_235 = arith.index_cast %select_n3A_178 : i32 to index
        %get3A_236 = arith.index_cast %scan3A_193 : i32 to index
        %get3A_237 = arith.constant 48 : index
        %get3A_238 = tpu.vector_load %arg8[%get3A_235, %get3A_236, %get3A_237] {strides = array<i32>} : memref<4x16x768xf32, #tpu.memory_space<vmem>>, vector<16xf32>,
        %sub3A_239 = arith.subf %get3A_234, %get3A_238 : vector<16xf32>
        %mul3A_240 = arith.mulf %sub3A_239, %sub3A_239 : vector<16xf32>
        %add3A_241 = arith.addf %scan3A_197, %mul3A_240 : vector<16xf32>
        %get3A_242 = arith.index_cast %select_n3A_178 : i32 to index
        %get3A_243 = arith.index_cast %scan3A_193 : i32 to index
        %get3A_244 = arith.constant 64 : index
        %get3A_245 = tpu.vector_load %arg7[%get3A_242, %get3A_243, %get3A_244] {strides = array<i32>} : memref<4x16x768xf32, #tpu.memory_space<vmem>>, vector<16xf32>,
        %get3A_246 = arith.index_cast %select_n3A_178 : i32 to index
        %get3A_247 = arith.index_cast %scan3A_193 : i32 to index
        %get3A_248 = arith.constant 64 : index
        %get3A_249 = tpu.vector_load %arg8[%get3A_246, %get3A_247, %get3A_248] {strides = array<i32>} : memref<4x16x768xf32, #tpu.memory_space<vmem>>, vector<16xf32>,
        %sub3A_250 = arith.subf %get3A_245, %get3A_249 : vector<16xf32>
        %mul3A_251 = arith.mulf %sub3A_250, %sub3A_250 : vector<16xf32>
        %add3A_252 = arith.addf %add3A_208, %mul3A_251 : vector<16xf32>
        %get3A_253 = arith.index_cast %select_n3A_178 : i32 to index
        %get3A_254 = arith.index_cast %scan3A_193 : i32 to index
        %get3A_255 = arith.constant 80 : index
        %get3A_256 = tpu.vector_load %arg7[%get3A_253, %get3A_254, %get3A_255] {strides = array<i32>} : memref<4x16x768xf32, #tpu.memory_space<vmem>>, vector<16xf32>,
        %get3A_257 = arith.index_cast %select_n3A_178 : i32 to index
        %get3A_258 = arith.index_cast %scan3A_193 : i32 to index
        %get3A_259 = arith.constant 80 : index
        %get3A_260 = tpu.vector_load %arg8[%get3A_257, %get3A_258, %get3A_259] {strides = array<i32>} : memref<4x16x768xf32, #tpu.memory_space<vmem>>, vector<16xf32>,
        %sub3A_261 = arith.subf %get3A_256, %get3A_260 : vector<16xf32>
        %mul3A_262 = arith.mulf %sub3A_261, %sub3A_261 : vector<16xf32>
        %add3A_263 = arith.addf %add3A_219, %mul3A_262 : vector<16xf32>
        %get3A_264 = arith.index_cast %select_n3A_178 : i32 to index
        %get3A_265 = arith.index_cast %scan3A_193 : i32 to index
        %get3A_266 = arith.constant 96 : index
        %get3A_267 = tpu.vector_load %arg7[%get3A_264, %get3A_265, %get3A_266] {strides = array<i32>} : memref<4x16x768xf32, #tpu.memory_space<vmem>>, vector<16xf32>,
        %get3A_268 = arith.index_cast %select_n3A_178 : i32 to index
        %get3A_269 = arith.index_cast %scan3A_193 : i32 to index
        %get3A_270 = arith.constant 96 : index
        %get3A_271 = tpu.vector_load %arg8[%get3A_268, %get3A_269, %get3A_270] {strides = array<i32>} : memref<4x16x768xf32, #tpu.memory_space<vmem>>, vector<16xf32>,
        %sub3A_272 = arith.subf %get3A_267, %get3A_271 : vector<16xf32>
        %mul3A_273 = arith.mulf %sub3A_272, %sub3A_272 : vector<16xf32>
        %add3A_274 = arith.addf %add3A_230, %mul3A_273 : vector<16xf32>
        %get3A_275 = arith.index_cast %select_n3A_178 : i32 to index
        %get3A_276 = arith.index_cast %scan3A_193 : i32 to index
        %get3A_277 = arith.constant 112 : index
        %get3A_278 = tpu.vector_load %arg7[%get3A_275, %get3A_276, %get3A_277] {strides = array<i32>} : memref<4x16x768xf32, #tpu.memory_space<vmem>>, vector<16xf32>,
        %get3A_279 = arith.index_cast %select_n3A_178 : i32 to index
        %get3A_280 = arith.index_cast %scan3A_193 : i32 to index
        %get3A_281 = arith.constant 112 : index
        %get3A_282 = tpu.vector_load %arg8[%get3A_279, %get3A_280, %get3A_281] {strides = array<i32>} : memref<4x16x768xf32, #tpu.memory_space<vmem>>, vector<16xf32>,
        %sub3A_283 = arith.subf %get3A_278, %get3A_282 : vector<16xf32>
        %mul3A_284 = arith.mulf %sub3A_283, %sub3A_283 : vector<16xf32>
        %add3A_285 = arith.addf %add3A_241, %mul3A_284 : vector<16xf32>
        %get3A_286 = arith.index_cast %select_n3A_178 : i32 to index
        %get3A_287 = arith.index_cast %scan3A_193 : i32 to index
        %get3A_288 = arith.constant 128 : index
        %get3A_289 = tpu.vector_load %arg7[%get3A_286, %get3A_287, %get3A_288] {strides = array<i32>} : memref<4x16x768xf32, #tpu.memory_space<vmem>>, vector<16xf32>,
        %get3A_290 = arith.index_cast %select_n3A_178 : i32 to index
        %get3A_291 = arith.index_cast %scan3A_193 : i32 to index
        %get3A_292 = arith.constant 128 : index
        %get3A_293 = tpu.vector_load %arg8[%get3A_290, %get3A_291, %get3A_292] {strides = array<i32>} : memref<4x16x768xf32, #tpu.memory_space<vmem>>, vector<16xf32>,
        %sub3A_294 = arith.subf %get3A_289, %get3A_293 : vector<16xf32>
        %mul3A_295 = arith.mulf %sub3A_294, %sub3A_294 : vector<16xf32>
        %add3A_296 = arith.addf %add3A_252, %mul3A_295 : vector<16xf32>
        %get3A_297 = arith.index_cast %select_n3A_178 : i32 to index
        %get3A_298 = arith.index_cast %scan3A_193 : i32 to index
        %get3A_299 = arith.constant 144 : index
        %get3A_300 = tpu.vector_load %arg7[%get3A_297, %get3A_298, %get3A_299] {strides = array<i32>} : memref<4x16x768xf32, #tpu.memory_space<vmem>>, vector<16xf32>,
        %get3A_301 = arith.index_cast %select_n3A_178 : i32 to index
        %get3A_302 = arith.index_cast %scan3A_193 : i32 to index
        %get3A_303 = arith.constant 144 : index
        %get3A_304 = tpu.vector_load %arg8[%get3A_301, %get3A_302, %get3A_303] {strides = array<i32>} : memref<4x16x768xf32, #tpu.memory_space<vmem>>, vector<16xf32>,
        %sub3A_305 = arith.subf %get3A_300, %get3A_304 : vector<16xf32>
        %mul3A_306 = arith.mulf %sub3A_305, %sub3A_305 : vector<16xf32>
        %add3A_307 = arith.addf %add3A_263, %mul3A_306 : vector<16xf32>
        %get3A_308 = arith.index_cast %select_n3A_178 : i32 to index
        %get3A_309 = arith.index_cast %scan3A_193 : i32 to index
        %get3A_310 = arith.constant 160 : index
        %get3A_311 = tpu.vector_load %arg7[%get3A_308, %get3A_309, %get3A_310] {strides = array<i32>} : memref<4x16x768xf32, #tpu.memory_space<vmem>>, vector<16xf32>,
        %get3A_312 = arith.index_cast %select_n3A_178 : i32 to index
        %get3A_313 = arith.index_cast %scan3A_193 : i32 to index
        %get3A_314 = arith.constant 160 : index
        %get3A_315 = tpu.vector_load %arg8[%get3A_312, %get3A_313, %get3A_314] {strides = array<i32>} : memref<4x16x768xf32, #tpu.memory_space<vmem>>, vector<16xf32>,
        %sub3A_316 = arith.subf %get3A_311, %get3A_315 : vector<16xf32>
        %mul3A_317 = arith.mulf %sub3A_316, %sub3A_316 : vector<16xf32>
        %add3A_318 = arith.addf %add3A_274, %mul3A_317 : vector<16xf32>
        %get3A_319 = arith.index_cast %select_n3A_178 : i32 to index
        %get3A_320 = arith.index_cast %scan3A_193 : i32 to index
        %get3A_321 = arith.constant 176 : index
        %get3A_322 = tpu.vector_load %arg7[%get3A_319, %get3A_320, %get3A_321] {strides = array<i32>} : memref<4x16x768xf32, #tpu.memory_space<vmem>>, vector<16xf32>,
        %get3A_323 = arith.index_cast %select_n3A_178 : i32 to index
        %get3A_324 = arith.index_cast %scan3A_193 : i32 to index
        %get3A_325 = arith.constant 176 : index
        %get3A_326 = tpu.vector_load %arg8[%get3A_323, %get3A_324, %get3A_325] {strides = array<i32>} : memref<4x16x768xf32, #tpu.memory_space<vmem>>, vector<16xf32>,
        %sub3A_327 = arith.subf %get3A_322, %get3A_326 : vector<16xf32>
        %mul3A_328 = arith.mulf %sub3A_327, %sub3A_327 : vector<16xf32>
        %add3A_329 = arith.addf %add3A_285, %mul3A_328 : vector<16xf32>
        %get3A_330 = arith.index_cast %select_n3A_178 : i32 to index
        %get3A_331 = arith.index_cast %scan3A_193 : i32 to index
        %get3A_332 = arith.constant 192 : index
        %get3A_333 = tpu.vector_load %arg7[%get3A_330, %get3A_331, %get3A_332] {strides = array<i32>} : memref<4x16x768xf32, #tpu.memory_space<vmem>>, vector<16xf32>,
        %get3A_334 = arith.index_cast %select_n3A_178 : i32 to index
        %get3A_335 = arith.index_cast %scan3A_193 : i32 to index
        %get3A_336 = arith.constant 192 : index
        %get3A_337 = tpu.vector_load %arg8[%get3A_334, %get3A_335, %get3A_336] {strides = array<i32>} : memref<4x16x768xf32, #tpu.memory_space<vmem>>, vector<16xf32>,
        %sub3A_338 = arith.subf %get3A_333, %get3A_337 : vector<16xf32>
        %mul3A_339 = arith.mulf %sub3A_338, %sub3A_338 : vector<16xf32>
        %add3A_340 = arith.addf %add3A_296, %mul3A_339 : vector<16xf32>
        %get3A_341 = arith.index_cast %select_n3A_178 : i32 to index
        %get3A_342 = arith.index_cast %scan3A_193 : i32 to index
        %get3A_343 = arith.constant 208 : index
        %get3A_344 = tpu.vector_load %arg7[%get3A_341, %get3A_342, %get3A_343] {strides = array<i32>} : memref<4x16x768xf32, #tpu.memory_space<vmem>>, vector<16xf32>,
        %get3A_345 = arith.index_cast %select_n3A_178 : i32 to index
        %get3A_346 = arith.index_cast %scan3A_193 : i32 to index
        %get3A_347 = arith.constant 208 : index
        %get3A_348 = tpu.vector_load %arg8[%get3A_345, %get3A_346, %get3A_347] {strides = array<i32>} : memref<4x16x768xf32, #tpu.memory_space<vmem>>, vector<16xf32>,
        %sub3A_349 = arith.subf %get3A_344, %get3A_348 : vector<16xf32>
        %mul3A_350 = arith.mulf %sub3A_349, %sub3A_349 : vector<16xf32>
        %add3A_351 = arith.addf %add3A_307, %mul3A_350 : vector<16xf32>
        %get3A_352 = arith.index_cast %select_n3A_178 : i32 to index
        %get3A_353 = arith.index_cast %scan3A_193 : i32 to index
        %get3A_354 = arith.constant 224 : index
        %get3A_355 = tpu.vector_load %arg7[%get3A_352, %get3A_353, %get3A_354] {strides = array<i32>} : memref<4x16x768xf32, #tpu.memory_space<vmem>>, vector<16xf32>,
        %get3A_356 = arith.index_cast %select_n3A_178 : i32 to index
        %get3A_357 = arith.index_cast %scan3A_193 : i32 to index
        %get3A_358 = arith.constant 224 : index
        %get3A_359 = tpu.vector_load %arg8[%get3A_356, %get3A_357, %get3A_358] {strides = array<i32>} : memref<4x16x768xf32, #tpu.memory_space<vmem>>, vector<16xf32>,
        %sub3A_360 = arith.subf %get3A_355, %get3A_359 : vector<16xf32>
        %mul3A_361 = arith.mulf %sub3A_360, %sub3A_360 : vector<16xf32>
        %add3A_362 = arith.addf %add3A_318, %mul3A_361 : vector<16xf32>
        %get3A_363 = arith.index_cast %select_n3A_178 : i32 to index
        %get3A_364 = arith.index_cast %scan3A_193 : i32 to index
        %get3A_365 = arith.constant 240 : index
        %get3A_366 = tpu.vector_load %arg7[%get3A_363, %get3A_364, %get3A_365] {strides = array<i32>} : memref<4x16x768xf32, #tpu.memory_space<vmem>>, vector<16xf32>,
        %get3A_367 = arith.index_cast %select_n3A_178 : i32 to index
        %get3A_368 = arith.index_cast %scan3A_193 : i32 to index
        %get3A_369 = arith.constant 240 : index
        %get3A_370 = tpu.vector_load %arg8[%get3A_367, %get3A_368, %get3A_369] {strides = array<i32>} : memref<4x16x768xf32, #tpu.memory_space<vmem>>, vector<16xf32>,
        %sub3A_371 = arith.subf %get3A_366, %get3A_370 : vector<16xf32>
        %mul3A_372 = arith.mulf %sub3A_371, %sub3A_371 : vector<16xf32>
        %add3A_373 = arith.addf %add3A_329, %mul3A_372 : vector<16xf32>
        %get3A_374 = arith.index_cast %select_n3A_178 : i32 to index
        %get3A_375 = arith.index_cast %scan3A_193 : i32 to index
        %get3A_376 = arith.constant 256 : index
        %get3A_377 = tpu.vector_load %arg7[%get3A_374, %get3A_375, %get3A_376] {strides = array<i32>} : memref<4x16x768xf32, #tpu.memory_space<vmem>>, vector<16xf32>,
        %get3A_378 = arith.index_cast %select_n3A_178 : i32 to index
        %get3A_379 = arith.index_cast %scan3A_193 : i32 to index
        %get3A_380 = arith.constant 256 : index
        %get3A_381 = tpu.vector_load %arg8[%get3A_378, %get3A_379, %get3A_380] {strides = array<i32>} : memref<4x16x768xf32, #tpu.memory_space<vmem>>, vector<16xf32>,
        %sub3A_382 = arith.subf %get3A_377, %get3A_381 : vector<16xf32>
        %mul3A_383 = arith.mulf %sub3A_382, %sub3A_382 : vector<16xf32>
        %add3A_384 = arith.addf %add3A_340, %mul3A_383 : vector<16xf32>
        %get3A_385 = arith.index_cast %select_n3A_178 : i32 to index
        %get3A_386 = arith.index_cast %scan3A_193 : i32 to index
        %get3A_387 = arith.constant 272 : index
        %get3A_388 = tpu.vector_load %arg7[%get3A_385, %get3A_386, %get3A_387] {strides = array<i32>} : memref<4x16x768xf32, #tpu.memory_space<vmem>>, vector<16xf32>,
        %get3A_389 = arith.index_cast %select_n3A_178 : i32 to index
        %get3A_390 = arith.index_cast %scan3A_193 : i32 to index
        %get3A_391 = arith.constant 272 : index
        %get3A_392 = tpu.vector_load %arg8[%get3A_389, %get3A_390, %get3A_391] {strides = array<i32>} : memref<4x16x768xf32, #tpu.memory_space<vmem>>, vector<16xf32>,
        %sub3A_393 = arith.subf %get3A_388, %get3A_392 : vector<16xf32>
        %mul3A_394 = arith.mulf %sub3A_393, %sub3A_393 : vector<16xf32>
        %add3A_395 = arith.addf %add3A_351, %mul3A_394 : vector<16xf32>
        %get3A_396 = arith.index_cast %select_n3A_178 : i32 to index
        %get3A_397 = arith.index_cast %scan3A_193 : i32 to index
        %get3A_398 = arith.constant 288 : index
        %get3A_399 = tpu.vector_load %arg7[%get3A_396, %get3A_397, %get3A_398] {strides = array<i32>} : memref<4x16x768xf32, #tpu.memory_space<vmem>>, vector<16xf32>,
        %get3A_400 = arith.index_cast %select_n3A_178 : i32 to index
        %get3A_401 = arith.index_cast %scan3A_193 : i32 to index
        %get3A_402 = arith.constant 288 : index
        %get3A_403 = tpu.vector_load %arg8[%get3A_400, %get3A_401, %get3A_402] {strides = array<i32>} : memref<4x16x768xf32, #tpu.memory_space<vmem>>, vector<16xf32>,
        %sub3A_404 = arith.subf %get3A_399, %get3A_403 : vector<16xf32>
        %mul3A_405 = arith.mulf %sub3A_404, %sub3A_404 : vector<16xf32>
        %add3A_406 = arith.addf %add3A_362, %mul3A_405 : vector<16xf32>
        %get3A_407 = arith.index_cast %select_n3A_178 : i32 to index
        %get3A_408 = arith.index_cast %scan3A_193 : i32 to index
        %get3A_409 = arith.constant 304 : index
        %get3A_410 = tpu.vector_load %arg7[%get3A_407, %get3A_408, %get3A_409] {strides = array<i32>} : memref<4x16x768xf32, #tpu.memory_space<vmem>>, vector<16xf32>,
        %get3A_411 = arith.index_cast %select_n3A_178 : i32 to index
        %get3A_412 = arith.index_cast %scan3A_193 : i32 to index
        %get3A_413 = arith.constant 304 : index
        %get3A_414 = tpu.vector_load %arg8[%get3A_411, %get3A_412, %get3A_413] {strides = array<i32>} : memref<4x16x768xf32, #tpu.memory_space<vmem>>, vector<16xf32>,
        %sub3A_415 = arith.subf %get3A_410, %get3A_414 : vector<16xf32>
        %mul3A_416 = arith.mulf %sub3A_415, %sub3A_415 : vector<16xf32>
        %add3A_417 = arith.addf %add3A_373, %mul3A_416 : vector<16xf32>
        %get3A_418 = arith.index_cast %select_n3A_178 : i32 to index
        %get3A_419 = arith.index_cast %scan3A_193 : i32 to index
        %get3A_420 = arith.constant 320 : index
        %get3A_421 = tpu.vector_load %arg7[%get3A_418, %get3A_419, %get3A_420] {strides = array<i32>} : memref<4x16x768xf32, #tpu.memory_space<vmem>>, vector<16xf32>,
        %get3A_422 = arith.index_cast %select_n3A_178 : i32 to index
        %get3A_423 = arith.index_cast %scan3A_193 : i32 to index
        %get3A_424 = arith.constant 320 : index
        %get3A_425 = tpu.vector_load %arg8[%get3A_422, %get3A_423, %get3A_424] {strides = array<i32>} : memref<4x16x768xf32, #tpu.memory_space<vmem>>, vector<16xf32>,
        %sub3A_426 = arith.subf %get3A_421, %get3A_425 : vector<16xf32>
        %mul3A_427 = arith.mulf %sub3A_426, %sub3A_426 : vector<16xf32>
        %add3A_428 = arith.addf %add3A_384, %mul3A_427 : vector<16xf32>
        %get3A_429 = arith.index_cast %select_n3A_178 : i32 to index
        %get3A_430 = arith.index_cast %scan3A_193 : i32 to index
        %get3A_431 = arith.constant 336 : index
        %get3A_432 = tpu.vector_load %arg7[%get3A_429, %get3A_430, %get3A_431] {strides = array<i32>} : memref<4x16x768xf32, #tpu.memory_space<vmem>>, vector<16xf32>,
        %get3A_433 = arith.index_cast %select_n3A_178 : i32 to index
        %get3A_434 = arith.index_cast %scan3A_193 : i32 to index
        %get3A_435 = arith.constant 336 : index
        %get3A_436 = tpu.vector_load %arg8[%get3A_433, %get3A_434, %get3A_435] {strides = array<i32>} : memref<4x16x768xf32, #tpu.memory_space<vmem>>, vector<16xf32>,
        %sub3A_437 = arith.subf %get3A_432, %get3A_436 : vector<16xf32>
        %mul3A_438 = arith.mulf %sub3A_437, %sub3A_437 : vector<16xf32>
        %add3A_439 = arith.addf %add3A_395, %mul3A_438 : vector<16xf32>
        %get3A_440 = arith.index_cast %select_n3A_178 : i32 to index
        %get3A_441 = arith.index_cast %scan3A_193 : i32 to index
        %get3A_442 = arith.constant 352 : index
        %get3A_443 = tpu.vector_load %arg7[%get3A_440, %get3A_441, %get3A_442] {strides = array<i32>} : memref<4x16x768xf32, #tpu.memory_space<vmem>>, vector<16xf32>,
        %get3A_444 = arith.index_cast %select_n3A_178 : i32 to index
        %get3A_445 = arith.index_cast %scan3A_193 : i32 to index
        %get3A_446 = arith.constant 352 : index
        %get3A_447 = tpu.vector_load %arg8[%get3A_444, %get3A_445, %get3A_446] {strides = array<i32>} : memref<4x16x768xf32, #tpu.memory_space<vmem>>, vector<16xf32>,
        %sub3A_448 = arith.subf %get3A_443, %get3A_447 : vector<16xf32>
        %mul3A_449 = arith.mulf %sub3A_448, %sub3A_448 : vector<16xf32>
        %add3A_450 = arith.addf %add3A_406, %mul3A_449 : vector<16xf32>
        %get3A_451 = arith.index_cast %select_n3A_178 : i32 to index
        %get3A_452 = arith.index_cast %scan3A_193 : i32 to index
        %get3A_453 = arith.constant 368 : index
        %get3A_454 = tpu.vector_load %arg7[%get3A_451, %get3A_452, %get3A_453] {strides = array<i32>} : memref<4x16x768xf32, #tpu.memory_space<vmem>>, vector<16xf32>,
        %get3A_455 = arith.index_cast %select_n3A_178 : i32 to index
        %get3A_456 = arith.index_cast %scan3A_193 : i32 to index
        %get3A_457 = arith.constant 368 : index
        %get3A_458 = tpu.vector_load %arg8[%get3A_455, %get3A_456, %get3A_457] {strides = array<i32>} : memref<4x16x768xf32, #tpu.memory_space<vmem>>, vector<16xf32>,
        %sub3A_459 = arith.subf %get3A_454, %get3A_458 : vector<16xf32>
        %mul3A_460 = arith.mulf %sub3A_459, %sub3A_459 : vector<16xf32>
        %add3A_461 = arith.addf %add3A_417, %mul3A_460 : vector<16xf32>
        %get3A_462 = arith.index_cast %select_n3A_178 : i32 to index
        %get3A_463 = arith.index_cast %scan3A_193 : i32 to index
        %get3A_464 = arith.constant 384 : index
        %get3A_465 = tpu.vector_load %arg7[%get3A_462, %get3A_463, %get3A_464] {strides = array<i32>} : memref<4x16x768xf32, #tpu.memory_space<vmem>>, vector<16xf32>,
        %get3A_466 = arith.index_cast %select_n3A_178 : i32 to index
        %get3A_467 = arith.index_cast %scan3A_193 : i32 to index
        %get3A_468 = arith.constant 384 : index
        %get3A_469 = tpu.vector_load %arg8[%get3A_466, %get3A_467, %get3A_468] {strides = array<i32>} : memref<4x16x768xf32, #tpu.memory_space<vmem>>, vector<16xf32>,
        %sub3A_470 = arith.subf %get3A_465, %get3A_469 : vector<16xf32>
        %mul3A_471 = arith.mulf %sub3A_470, %sub3A_470 : vector<16xf32>
        %add3A_472 = arith.addf %add3A_428, %mul3A_471 : vector<16xf32>
        %get3A_473 = arith.index_cast %select_n3A_178 : i32 to index
        %get3A_474 = arith.index_cast %scan3A_193 : i32 to index
        %get3A_475 = arith.constant 400 : index
        %get3A_476 = tpu.vector_load %arg7[%get3A_473, %get3A_474, %get3A_475] {strides = array<i32>} : memref<4x16x768xf32, #tpu.memory_space<vmem>>, vector<16xf32>,
        %get3A_477 = arith.index_cast %select_n3A_178 : i32 to index
        %get3A_478 = arith.index_cast %scan3A_193 : i32 to index
        %get3A_479 = arith.constant 400 : index
        %get3A_480 = tpu.vector_load %arg8[%get3A_477, %get3A_478, %get3A_479] {strides = array<i32>} : memref<4x16x768xf32, #tpu.memory_space<vmem>>, vector<16xf32>,
        %sub3A_481 = arith.subf %get3A_476, %get3A_480 : vector<16xf32>
        %mul3A_482 = arith.mulf %sub3A_481, %sub3A_481 : vector<16xf32>
        %add3A_483 = arith.addf %add3A_439, %mul3A_482 : vector<16xf32>
        %get3A_484 = arith.index_cast %select_n3A_178 : i32 to index
        %get3A_485 = arith.index_cast %scan3A_193 : i32 to index
        %get3A_486 = arith.constant 416 : index
        %get3A_487 = tpu.vector_load %arg7[%get3A_484, %get3A_485, %get3A_486] {strides = array<i32>} : memref<4x16x768xf32, #tpu.memory_space<vmem>>, vector<16xf32>,
        %get3A_488 = arith.index_cast %select_n3A_178 : i32 to index
        %get3A_489 = arith.index_cast %scan3A_193 : i32 to index
        %get3A_490 = arith.constant 416 : index
        %get3A_491 = tpu.vector_load %arg8[%get3A_488, %get3A_489, %get3A_490] {strides = array<i32>} : memref<4x16x768xf32, #tpu.memory_space<vmem>>, vector<16xf32>,
        %sub3A_492 = arith.subf %get3A_487, %get3A_491 : vector<16xf32>
        %mul3A_493 = arith.mulf %sub3A_492, %sub3A_492 : vector<16xf32>
        %add3A_494 = arith.addf %add3A_450, %mul3A_493 : vector<16xf32>
        %get3A_495 = arith.index_cast %select_n3A_178 : i32 to index
        %get3A_496 = arith.index_cast %scan3A_193 : i32 to index
        %get3A_497 = arith.constant 432 : index
        %get3A_498 = tpu.vector_load %arg7[%get3A_495, %get3A_496, %get3A_497] {strides = array<i32>} : memref<4x16x768xf32, #tpu.memory_space<vmem>>, vector<16xf32>,
        %get3A_499 = arith.index_cast %select_n3A_178 : i32 to index
        %get3A_500 = arith.index_cast %scan3A_193 : i32 to index
        %get3A_501 = arith.constant 432 : index
        %get3A_502 = tpu.vector_load %arg8[%get3A_499, %get3A_500, %get3A_501] {strides = array<i32>} : memref<4x16x768xf32, #tpu.memory_space<vmem>>, vector<16xf32>,
        %sub3A_503 = arith.subf %get3A_498, %get3A_502 : vector<16xf32>
        %mul3A_504 = arith.mulf %sub3A_503, %sub3A_503 : vector<16xf32>
        %add3A_505 = arith.addf %add3A_461, %mul3A_504 : vector<16xf32>
        %get3A_506 = arith.index_cast %select_n3A_178 : i32 to index
        %get3A_507 = arith.index_cast %scan3A_193 : i32 to index
        %get3A_508 = arith.constant 448 : index
        %get3A_509 = tpu.vector_load %arg7[%get3A_506, %get3A_507, %get3A_508] {strides = array<i32>} : memref<4x16x768xf32, #tpu.memory_space<vmem>>, vector<16xf32>,
        %get3A_510 = arith.index_cast %select_n3A_178 : i32 to index
        %get3A_511 = arith.index_cast %scan3A_193 : i32 to index
        %get3A_512 = arith.constant 448 : index
        %get3A_513 = tpu.vector_load %arg8[%get3A_510, %get3A_511, %get3A_512] {strides = array<i32>} : memref<4x16x768xf32, #tpu.memory_space<vmem>>, vector<16xf32>,
        %sub3A_514 = arith.subf %get3A_509, %get3A_513 : vector<16xf32>
        %mul3A_515 = arith.mulf %sub3A_514, %sub3A_514 : vector<16xf32>
        %add3A_516 = arith.addf %add3A_472, %mul3A_515 : vector<16xf32>
        %get3A_517 = arith.index_cast %select_n3A_178 : i32 to index
        %get3A_518 = arith.index_cast %scan3A_193 : i32 to index
        %get3A_519 = arith.constant 464 : index
        %get3A_520 = tpu.vector_load %arg7[%get3A_517, %get3A_518, %get3A_519] {strides = array<i32>} : memref<4x16x768xf32, #tpu.memory_space<vmem>>, vector<16xf32>,
        %get3A_521 = arith.index_cast %select_n3A_178 : i32 to index
        %get3A_522 = arith.index_cast %scan3A_193 : i32 to index
        %get3A_523 = arith.constant 464 : index
        %get3A_524 = tpu.vector_load %arg8[%get3A_521, %get3A_522, %get3A_523] {strides = array<i32>} : memref<4x16x768xf32, #tpu.memory_space<vmem>>, vector<16xf32>,
        %sub3A_525 = arith.subf %get3A_520, %get3A_524 : vector<16xf32>
        %mul3A_526 = arith.mulf %sub3A_525, %sub3A_525 : vector<16xf32>
        %add3A_527 = arith.addf %add3A_483, %mul3A_526 : vector<16xf32>
        %get3A_528 = arith.index_cast %select_n3A_178 : i32 to index
        %get3A_529 = arith.index_cast %scan3A_193 : i32 to index
        %get3A_530 = arith.constant 480 : index
        %get3A_531 = tpu.vector_load %arg7[%get3A_528, %get3A_529, %get3A_530] {strides = array<i32>} : memref<4x16x768xf32, #tpu.memory_space<vmem>>, vector<16xf32>,
        %get3A_532 = arith.index_cast %select_n3A_178 : i32 to index
        %get3A_533 = arith.index_cast %scan3A_193 : i32 to index
        %get3A_534 = arith.constant 480 : index
        %get3A_535 = tpu.vector_load %arg8[%get3A_532, %get3A_533, %get3A_534] {strides = array<i32>} : memref<4x16x768xf32, #tpu.memory_space<vmem>>, vector<16xf32>,
        %sub3A_536 = arith.subf %get3A_531, %get3A_535 : vector<16xf32>
        %mul3A_537 = arith.mulf %sub3A_536, %sub3A_536 : vector<16xf32>
        %add3A_538 = arith.addf %add3A_494, %mul3A_537 : vector<16xf32>
        %get3A_539 = arith.index_cast %select_n3A_178 : i32 to index
        %get3A_540 = arith.index_cast %scan3A_193 : i32 to index
        %get3A_541 = arith.constant 496 : index
        %get3A_542 = tpu.vector_load %arg7[%get3A_539, %get3A_540, %get3A_541] {strides = array<i32>} : memref<4x16x768xf32, #tpu.memory_space<vmem>>, vector<16xf32>,
        %get3A_543 = arith.index_cast %select_n3A_178 : i32 to index
        %get3A_544 = arith.index_cast %scan3A_193 : i32 to index
        %get3A_545 = arith.constant 496 : index
        %get3A_546 = tpu.vector_load %arg8[%get3A_543, %get3A_544, %get3A_545] {strides = array<i32>} : memref<4x16x768xf32, #tpu.memory_space<vmem>>, vector<16xf32>,
        %sub3A_547 = arith.subf %get3A_542, %get3A_546 : vector<16xf32>
        %mul3A_548 = arith.mulf %sub3A_547, %sub3A_547 : vector<16xf32>
        %add3A_549 = arith.addf %add3A_505, %mul3A_548 : vector<16xf32>
        %get3A_550 = arith.index_cast %select_n3A_178 : i32 to index
        %get3A_551 = arith.index_cast %scan3A_193 : i32 to index
        %get3A_552 = arith.constant 512 : index
        %get3A_553 = tpu.vector_load %arg7[%get3A_550, %get3A_551, %get3A_552] {strides = array<i32>} : memref<4x16x768xf32, #tpu.memory_space<vmem>>, vector<16xf32>,
        %get3A_554 = arith.index_cast %select_n3A_178 : i32 to index
        %get3A_555 = arith.index_cast %scan3A_193 : i32 to index
        %get3A_556 = arith.constant 512 : index
        %get3A_557 = tpu.vector_load %arg8[%get3A_554, %get3A_555, %get3A_556] {strides = array<i32>} : memref<4x16x768xf32, #tpu.memory_space<vmem>>, vector<16xf32>,
        %sub3A_558 = arith.subf %get3A_553, %get3A_557 : vector<16xf32>
        %mul3A_559 = arith.mulf %sub3A_558, %sub3A_558 : vector<16xf32>
        %add3A_560 = arith.addf %add3A_516, %mul3A_559 : vector<16xf32>
        %get3A_561 = arith.index_cast %select_n3A_178 : i32 to index
        %get3A_562 = arith.index_cast %scan3A_193 : i32 to index
        %get3A_563 = arith.constant 528 : index
        %get3A_564 = tpu.vector_load %arg7[%get3A_561, %get3A_562, %get3A_563] {strides = array<i32>} : memref<4x16x768xf32, #tpu.memory_space<vmem>>, vector<16xf32>,
        %get3A_565 = arith.index_cast %select_n3A_178 : i32 to index
        %get3A_566 = arith.index_cast %scan3A_193 : i32 to index
        %get3A_567 = arith.constant 528 : index
        %get3A_568 = tpu.vector_load %arg8[%get3A_565, %get3A_566, %get3A_567] {strides = array<i32>} : memref<4x16x768xf32, #tpu.memory_space<vmem>>, vector<16xf32>,
        %sub3A_569 = arith.subf %get3A_564, %get3A_568 : vector<16xf32>
        %mul3A_570 = arith.mulf %sub3A_569, %sub3A_569 : vector<16xf32>
        %add3A_571 = arith.addf %add3A_527, %mul3A_570 : vector<16xf32>
        %get3A_572 = arith.index_cast %select_n3A_178 : i32 to index
        %get3A_573 = arith.index_cast %scan3A_193 : i32 to index
        %get3A_574 = arith.constant 544 : index
        %get3A_575 = tpu.vector_load %arg7[%get3A_572, %get3A_573, %get3A_574] {strides = array<i32>} : memref<4x16x768xf32, #tpu.memory_space<vmem>>, vector<16xf32>,
        %get3A_576 = arith.index_cast %select_n3A_178 : i32 to index
        %get3A_577 = arith.index_cast %scan3A_193 : i32 to index
        %get3A_578 = arith.constant 544 : index
        %get3A_579 = tpu.vector_load %arg8[%get3A_576, %get3A_577, %get3A_578] {strides = array<i32>} : memref<4x16x768xf32, #tpu.memory_space<vmem>>, vector<16xf32>,
        %sub3A_580 = arith.subf %get3A_575, %get3A_579 : vector<16xf32>
        %mul3A_581 = arith.mulf %sub3A_580, %sub3A_580 : vector<16xf32>
        %add3A_582 = arith.addf %add3A_538, %mul3A_581 : vector<16xf32>
        %get3A_583 = arith.index_cast %select_n3A_178 : i32 to index
        %get3A_584 = arith.index_cast %scan3A_193 : i32 to index
        %get3A_585 = arith.constant 560 : index
        %get3A_586 = tpu.vector_load %arg7[%get3A_583, %get3A_584, %get3A_585] {strides = array<i32>} : memref<4x16x768xf32, #tpu.memory_space<vmem>>, vector<16xf32>,
        %get3A_587 = arith.index_cast %select_n3A_178 : i32 to index
        %get3A_588 = arith.index_cast %scan3A_193 : i32 to index
        %get3A_589 = arith.constant 560 : index
        %get3A_590 = tpu.vector_load %arg8[%get3A_587, %get3A_588, %get3A_589] {strides = array<i32>} : memref<4x16x768xf32, #tpu.memory_space<vmem>>, vector<16xf32>,
        %sub3A_591 = arith.subf %get3A_586, %get3A_590 : vector<16xf32>
        %mul3A_592 = arith.mulf %sub3A_591, %sub3A_591 : vector<16xf32>
        %add3A_593 = arith.addf %add3A_549, %mul3A_592 : vector<16xf32>
        %get3A_594 = arith.index_cast %select_n3A_178 : i32 to index
        %get3A_595 = arith.index_cast %scan3A_193 : i32 to index
        %get3A_596 = arith.constant 576 : index
        %get3A_597 = tpu.vector_load %arg7[%get3A_594, %get3A_595, %get3A_596] {strides = array<i32>} : memref<4x16x768xf32, #tpu.memory_space<vmem>>, vector<16xf32>,
        %get3A_598 = arith.index_cast %select_n3A_178 : i32 to index
        %get3A_599 = arith.index_cast %scan3A_193 : i32 to index
        %get3A_600 = arith.constant 576 : index
        %get3A_601 = tpu.vector_load %arg8[%get3A_598, %get3A_599, %get3A_600] {strides = array<i32>} : memref<4x16x768xf32, #tpu.memory_space<vmem>>, vector<16xf32>,
        %sub3A_602 = arith.subf %get3A_597, %get3A_601 : vector<16xf32>
        %mul3A_603 = arith.mulf %sub3A_602, %sub3A_602 : vector<16xf32>
        %add3A_604 = arith.addf %add3A_560, %mul3A_603 : vector<16xf32>
        %get3A_605 = arith.index_cast %select_n3A_178 : i32 to index
        %get3A_606 = arith.index_cast %scan3A_193 : i32 to index
        %get3A_607 = arith.constant 592 : index
        %get3A_608 = tpu.vector_load %arg7[%get3A_605, %get3A_606, %get3A_607] {strides = array<i32>} : memref<4x16x768xf32, #tpu.memory_space<vmem>>, vector<16xf32>,
        %get3A_609 = arith.index_cast %select_n3A_178 : i32 to index
        %get3A_610 = arith.index_cast %scan3A_193 : i32 to index
        %get3A_611 = arith.constant 592 : index
        %get3A_612 = tpu.vector_load %arg8[%get3A_609, %get3A_610, %get3A_611] {strides = array<i32>} : memref<4x16x768xf32, #tpu.memory_space<vmem>>, vector<16xf32>,
        %sub3A_613 = arith.subf %get3A_608, %get3A_612 : vector<16xf32>
        %mul3A_614 = arith.mulf %sub3A_613, %sub3A_613 : vector<16xf32>
        %add3A_615 = arith.addf %add3A_571, %mul3A_614 : vector<16xf32>
        %get3A_616 = arith.index_cast %select_n3A_178 : i32 to index
        %get3A_617 = arith.index_cast %scan3A_193 : i32 to index
        %get3A_618 = arith.constant 608 : index
        %get3A_619 = tpu.vector_load %arg7[%get3A_616, %get3A_617, %get3A_618] {strides = array<i32>} : memref<4x16x768xf32, #tpu.memory_space<vmem>>, vector<16xf32>,
        %get3A_620 = arith.index_cast %select_n3A_178 : i32 to index
        %get3A_621 = arith.index_cast %scan3A_193 : i32 to index
        %get3A_622 = arith.constant 608 : index
        %get3A_623 = tpu.vector_load %arg8[%get3A_620, %get3A_621, %get3A_622] {strides = array<i32>} : memref<4x16x768xf32, #tpu.memory_space<vmem>>, vector<16xf32>,
        %sub3A_624 = arith.subf %get3A_619, %get3A_623 : vector<16xf32>
        %mul3A_625 = arith.mulf %sub3A_624, %sub3A_624 : vector<16xf32>
        %add3A_626 = arith.addf %add3A_582, %mul3A_625 : vector<16xf32>
        %get3A_627 = arith.index_cast %select_n3A_178 : i32 to index
        %get3A_628 = arith.index_cast %scan3A_193 : i32 to index
        %get3A_629 = arith.constant 624 : index
        %get3A_630 = tpu.vector_load %arg7[%get3A_627, %get3A_628, %get3A_629] {strides = array<i32>} : memref<4x16x768xf32, #tpu.memory_space<vmem>>, vector<16xf32>,
        %get3A_631 = arith.index_cast %select_n3A_178 : i32 to index
        %get3A_632 = arith.index_cast %scan3A_193 : i32 to index
        %get3A_633 = arith.constant 624 : index
        %get3A_634 = tpu.vector_load %arg8[%get3A_631, %get3A_632, %get3A_633] {strides = array<i32>} : memref<4x16x768xf32, #tpu.memory_space<vmem>>, vector<16xf32>,
        %sub3A_635 = arith.subf %get3A_630, %get3A_634 : vector<16xf32>
        %mul3A_636 = arith.mulf %sub3A_635, %sub3A_635 : vector<16xf32>
        %add3A_637 = arith.addf %add3A_593, %mul3A_636 : vector<16xf32>
        %get3A_638 = arith.index_cast %select_n3A_178 : i32 to index
        %get3A_639 = arith.index_cast %scan3A_193 : i32 to index
        %get3A_640 = arith.constant 640 : index
        %get3A_641 = tpu.vector_load %arg7[%get3A_638, %get3A_639, %get3A_640] {strides = array<i32>} : memref<4x16x768xf32, #tpu.memory_space<vmem>>, vector<16xf32>,
        %get3A_642 = arith.index_cast %select_n3A_178 : i32 to index
        %get3A_643 = arith.index_cast %scan3A_193 : i32 to index
        %get3A_644 = arith.constant 640 : index
        %get3A_645 = tpu.vector_load %arg8[%get3A_642, %get3A_643, %get3A_644] {strides = array<i32>} : memref<4x16x768xf32, #tpu.memory_space<vmem>>, vector<16xf32>,
        %sub3A_646 = arith.subf %get3A_641, %get3A_645 : vector<16xf32>
        %mul3A_647 = arith.mulf %sub3A_646, %sub3A_646 : vector<16xf32>
        %add3A_648 = arith.addf %add3A_604, %mul3A_647 : vector<16xf32>
        %get3A_649 = arith.index_cast %select_n3A_178 : i32 to index
        %get3A_650 = arith.index_cast %scan3A_193 : i32 to index
        %get3A_651 = arith.constant 656 : index
        %get3A_652 = tpu.vector_load %arg7[%get3A_649, %get3A_650, %get3A_651] {strides = array<i32>} : memref<4x16x768xf32, #tpu.memory_space<vmem>>, vector<16xf32>,
        %get3A_653 = arith.index_cast %select_n3A_178 : i32 to index
        %get3A_654 = arith.index_cast %scan3A_193 : i32 to index
        %get3A_655 = arith.constant 656 : index
        %get3A_656 = tpu.vector_load %arg8[%get3A_653, %get3A_654, %get3A_655] {strides = array<i32>} : memref<4x16x768xf32, #tpu.memory_space<vmem>>, vector<16xf32>,
        %sub3A_657 = arith.subf %get3A_652, %get3A_656 : vector<16xf32>
        %mul3A_658 = arith.mulf %sub3A_657, %sub3A_657 : vector<16xf32>
        %add3A_659 = arith.addf %add3A_615, %mul3A_658 : vector<16xf32>
        %get3A_660 = arith.index_cast %select_n3A_178 : i32 to index
        %get3A_661 = arith.index_cast %scan3A_193 : i32 to index
        %get3A_662 = arith.constant 672 : index
        %get3A_663 = tpu.vector_load %arg7[%get3A_660, %get3A_661, %get3A_662] {strides = array<i32>} : memref<4x16x768xf32, #tpu.memory_space<vmem>>, vector<16xf32>,
        %get3A_664 = arith.index_cast %select_n3A_178 : i32 to index
        %get3A_665 = arith.index_cast %scan3A_193 : i32 to index
        %get3A_666 = arith.constant 672 : index
        %get3A_667 = tpu.vector_load %arg8[%get3A_664, %get3A_665, %get3A_666] {strides = array<i32>} : memref<4x16x768xf32, #tpu.memory_space<vmem>>, vector<16xf32>,
        %sub3A_668 = arith.subf %get3A_663, %get3A_667 : vector<16xf32>
        %mul3A_669 = arith.mulf %sub3A_668, %sub3A_668 : vector<16xf32>
        %add3A_670 = arith.addf %add3A_626, %mul3A_669 : vector<16xf32>
        %get3A_671 = arith.index_cast %select_n3A_178 : i32 to index
        %get3A_672 = arith.index_cast %scan3A_193 : i32 to index
        %get3A_673 = arith.constant 688 : index
        %get3A_674 = tpu.vector_load %arg7[%get3A_671, %get3A_672, %get3A_673] {strides = array<i32>} : memref<4x16x768xf32, #tpu.memory_space<vmem>>, vector<16xf32>,
        %get3A_675 = arith.index_cast %select_n3A_178 : i32 to index
        %get3A_676 = arith.index_cast %scan3A_193 : i32 to index
        %get3A_677 = arith.constant 688 : index
        %get3A_678 = tpu.vector_load %arg8[%get3A_675, %get3A_676, %get3A_677] {strides = array<i32>} : memref<4x16x768xf32, #tpu.memory_space<vmem>>, vector<16xf32>,
        %sub3A_679 = arith.subf %get3A_674, %get3A_678 : vector<16xf32>
        %mul3A_680 = arith.mulf %sub3A_679, %sub3A_679 : vector<16xf32>
        %add3A_681 = arith.addf %add3A_637, %mul3A_680 : vector<16xf32>
        %get3A_682 = arith.index_cast %select_n3A_178 : i32 to index
        %get3A_683 = arith.index_cast %scan3A_193 : i32 to index
        %get3A_684 = arith.constant 704 : index
        %get3A_685 = tpu.vector_load %arg7[%get3A_682, %get3A_683, %get3A_684] {strides = array<i32>} : memref<4x16x768xf32, #tpu.memory_space<vmem>>, vector<16xf32>,
        %get3A_686 = arith.index_cast %select_n3A_178 : i32 to index
        %get3A_687 = arith.index_cast %scan3A_193 : i32 to index
        %get3A_688 = arith.constant 704 : index
        %get3A_689 = tpu.vector_load %arg8[%get3A_686, %get3A_687, %get3A_688] {strides = array<i32>} : memref<4x16x768xf32, #tpu.memory_space<vmem>>, vector<16xf32>,
        %sub3A_690 = arith.subf %get3A_685, %get3A_689 : vector<16xf32>
        %mul3A_691 = arith.mulf %sub3A_690, %sub3A_690 : vector<16xf32>
        %add3A_692 = arith.addf %add3A_648, %mul3A_691 : vector<16xf32>
        %get3A_693 = arith.index_cast %select_n3A_178 : i32 to index
        %get3A_694 = arith.index_cast %scan3A_193 : i32 to index
        %get3A_695 = arith.constant 720 : index
        %get3A_696 = tpu.vector_load %arg7[%get3A_693, %get3A_694, %get3A_695] {strides = array<i32>} : memref<4x16x768xf32, #tpu.memory_space<vmem>>, vector<16xf32>,
        %get3A_697 = arith.index_cast %select_n3A_178 : i32 to index
        %get3A_698 = arith.index_cast %scan3A_193 : i32 to index
        %get3A_699 = arith.constant 720 : index
        %get3A_700 = tpu.vector_load %arg8[%get3A_697, %get3A_698, %get3A_699] {strides = array<i32>} : memref<4x16x768xf32, #tpu.memory_space<vmem>>, vector<16xf32>,
        %sub3A_701 = arith.subf %get3A_696, %get3A_700 : vector<16xf32>
        %mul3A_702 = arith.mulf %sub3A_701, %sub3A_701 : vector<16xf32>
        %add3A_703 = arith.addf %add3A_659, %mul3A_702 : vector<16xf32>
        %get3A_704 = arith.index_cast %select_n3A_178 : i32 to index
        %get3A_705 = arith.index_cast %scan3A_193 : i32 to index
        %get3A_706 = arith.constant 736 : index
        %get3A_707 = tpu.vector_load %arg7[%get3A_704, %get3A_705, %get3A_706] {strides = array<i32>} : memref<4x16x768xf32, #tpu.memory_space<vmem>>, vector<16xf32>,
        %get3A_708 = arith.index_cast %select_n3A_178 : i32 to index
        %get3A_709 = arith.index_cast %scan3A_193 : i32 to index
        %get3A_710 = arith.constant 736 : index
        %get3A_711 = tpu.vector_load %arg8[%get3A_708, %get3A_709, %get3A_710] {strides = array<i32>} : memref<4x16x768xf32, #tpu.memory_space<vmem>>, vector<16xf32>,
        %sub3A_712 = arith.subf %get3A_707, %get3A_711 : vector<16xf32>
        %mul3A_713 = arith.mulf %sub3A_712, %sub3A_712 : vector<16xf32>
        %add3A_714 = arith.addf %add3A_670, %mul3A_713 : vector<16xf32>
        %get3A_715 = arith.index_cast %select_n3A_178 : i32 to index
        %get3A_716 = arith.index_cast %scan3A_193 : i32 to index
        %get3A_717 = arith.constant 752 : index
        %get3A_718 = tpu.vector_load %arg7[%get3A_715, %get3A_716, %get3A_717] {strides = array<i32>} : memref<4x16x768xf32, #tpu.memory_space<vmem>>, vector<16xf32>,
        %get3A_719 = arith.index_cast %select_n3A_178 : i32 to index
        %get3A_720 = arith.index_cast %scan3A_193 : i32 to index
        %get3A_721 = arith.constant 752 : index
        %get3A_722 = tpu.vector_load %arg8[%get3A_719, %get3A_720, %get3A_721] {strides = array<i32>} : memref<4x16x768xf32, #tpu.memory_space<vmem>>, vector<16xf32>,
        %sub3A_723 = arith.subf %get3A_718, %get3A_722 : vector<16xf32>
        %mul3A_724 = arith.mulf %sub3A_723, %sub3A_723 : vector<16xf32>
        %add3A_725 = arith.addf %add3A_681, %mul3A_724 : vector<16xf32>
        scf.yield %add3A_692, %add3A_703, %add3A_714, %add3A_725 : vector<16xf32>, vector<16xf32>, vector<16xf32>, vector<16xf32>
      }
      %scan3A_186 = arith.constant 16 : i32
      %add3A_187 = arith.addf %scan3A_185#0, %scan3A_185#1 : vector<16xf32>
      %add3A_188 = arith.addf %scan3A_185#2, %scan3A_185#3 : vector<16xf32>
      %add3A_189 = arith.addf %add3A_187, %add3A_188 : vector<16xf32>
      %add3A_190 = arith.addf %get3A_162, %add3A_189 : vector<16xf32>
      %swap3A_191 = arith.constant 0 : index
      %swap3A_192 = tpu.vector_load %arg9[%swap3A_191] {strides = array<i32>} : memref<16xf32, #tpu.memory_space<vmem>>, vector<16xf32>,
      tpu.vector_store %arg9[%swap3A_191], %add3A_190 {strides = array<i32>} : memref<16xf32, #tpu.memory_space<vmem>>, vector<16xf32>,
    }
    %scan3A_104 = arith.constant 32 : i32
    %dma_start3A_105 = arith.constant 0 : i32
    %dma_start3A_106 = tpu.memref_slice %arg5[%add3A, %dma_start3A_105] : memref<32x16xf32, #tpu.memory_space<hbm>> -> memref<1x16xf32, #tpu.memory_space<hbm>>
    %dma_start3A_107 = tpu.memref_squeeze %dma_start3A_106 : memref<1x16xf32, #tpu.memory_space<hbm>> -> memref<16xf32, #tpu.memory_space<hbm>>
    %dma_start3A_108 = arith.constant 0 : i32
    %dma_start3A_109 = tpu.memref_slice %arg5[%add3A, %dma_start3A_108] : memref<32x16xf32, #tpu.memory_space<hbm>> -> memref<1x16xf32, #tpu.memory_space<hbm>>
    %dma_start3A_110 = tpu.memref_squeeze %dma_start3A_109 : memref<1x16xf32, #tpu.memory_space<hbm>> -> memref<16xf32, #tpu.memory_space<hbm>>
    tpu.enqueue_dma source(%arg9 : memref<16xf32, #tpu.memory_space<vmem>>) target(%dma_start3A_110 : memref<16xf32, #tpu.memory_space<hbm>>) target_semaphore(%arg13 : memref<!tpu.dma_semaphore, #tpu.memory_space<semaphore_mem>>)
    %dma_wait3A_111 = arith.constant 0 : i32
    %dma_wait3A_112 = tpu.memref_slice %arg5[%add3A, %dma_wait3A_111] : memref<32x16xf32, #tpu.memory_space<hbm>> -> memref<1x16xf32, #tpu.memory_space<hbm>>
    %dma_wait3A_113 = tpu.memref_squeeze %dma_wait3A_112 : memref<1x16xf32, #tpu.memory_space<hbm>> -> memref<16xf32, #tpu.memory_space<hbm>>
    %dma_wait3A_114 = arith.constant 0 : i32
    %dma_wait3A_115 = tpu.memref_slice %arg5[%add3A, %dma_wait3A_114] : memref<32x16xf32, #tpu.memory_space<hbm>> -> memref<1x16xf32, #tpu.memory_space<hbm>>
    %dma_wait3A_116 = tpu.memref_squeeze %dma_wait3A_115 : memref<1x16xf32, #tpu.memory_space<hbm>> -> memref<16xf32, #tpu.memory_space<hbm>>
    tpu.wait_dma2 semaphore(%arg13 : memref<!tpu.dma_semaphore, #tpu.memory_space<semaphore_mem>>) src(%arg9 : memref<16xf32, #tpu.memory_space<vmem>>) dst(%dma_wait3A_116 : memref<16xf32, #tpu.memory_space<hbm>>)
    return
  }
}

</mosaic_0001>

<sc_bundles>
// kernel: kernel.3.cloned.1.call-start
scs
__scs_entry_jumppad:
0x0: {  	(pc) =	sbr.rel $0x88, $3  }
0x1: {  	(tag) =	ssettag $0x0;
	lr =	simm.s32 $0x1  }
0x2: {  	[smem:$0x3F9E] =	sst lr;
	_ =	strace $0xD0000000  }
0x3: {  	_ = 	snop  }
0x4: {  	_ = 	snop  }
0x5: {  	_ = 	snop  }
0x6: {  	_ = 	snop  }
0x7: {  	_ = 	snop  }
__scs_overlays_trampoline_lowered:
0x8: {  	[smem:$0x3FAD] =	sst s0  }
0x9: {  	[smem:$0x3FAE] =	sst s1  }
0xa: {  	[smem:$0x3FAF] =	sst s2  }
0xb: {  	[smem:$0x3FB0] =	sst s3  }
0xc: {  	[smem:$0x3FB1] =	sst s4  }
0xd: {  	[smem:$0x3FB2] =	sst s5  }
0xe: {  	[smem:$0x3FB3] =	sst s6  }
0xf: {  	[smem:$0x3FB4] =	sst s7  }
0x10: {  	[smem:$0x3FB5] =	sst s8  }
0x11: {  	[smem:$0x3FB6] =	sst s9;
	s0 =	simm.s32 @!p0 $0x0  }
0x12: {  	s1 =	sld [smem:$0x3F9C];
	s0 =	simm.s32 @p0 $0x1  }
0x13: {  	[smem:$0x3FB7] =	sst s0;
	s0 =	simm.s32 @!p1 $0x0  }
0x14: {  	s2 =	sld [smem:$0x3F9B];
	s0 =	simm.s32 @p1 $0x1  }
0x15: {  	[smem:$0x3FB8] =	sst s0;
	s0 =	simm.s32 @!p2 $0x0  }
0x16: {  	s3 =	sld [smem:$0x3FDB];
	s0 =	simm.s32 @p2 $0x1  }
0x17: {  	s4 =	simm.s32 $0x1BF5;
	[smem:$0x3FBA] =	sst s0  }
0x18: {  	s0 =	sld [smem:$0x3F9D];
	_ =	swait.ge [sflag:s4], $0x0  }
0x19: {  	s7 =	sld [smem:$0x3F9E]  }
0x1a: {  	s8 =	sadd.s32 $0xFFFFE003, lr  }
0x1b: {  	s9 =	sadd.s32 $0xFFFFFEF7, lr;
	s5 =	simm.s32 $0xFFFFFFFF;
	p2 =	slt.u32 s8, $0xFFFFF086  }
0x1c: {  	p1 =	slt.u32 s9, $0xF7A;
	s5 =	simm.s32 @!p2 $0x0  }
0x1d: {  	s5 =	simm.s32 @p1 $0x1;
	p0 =	seq.s32 s7, s2  }
0x1e: {  	s7 =	smul.u32 @!p0 $0xF7A, s2;
	p2 =	seq.s32 @!p0 s5, $0x0  }
0x1f: {  	s9 =	smul.u32 $0xF7A, s1;
	s8 =	simm.s32 @!p0 $0x1BF5;
	p2 =	por !p2, p0  }
0x20: {  	[sflag:s8] =	ssyncset.s32 @!p0 $0xFFFFF086;
	s6 =	sadd.s32 @!p0 s3, s7;
	s7 =	simm.s32 @!p0 $0x108  }
0x21: {  	s3 =	sadd.s32 s3, s9;
	s6 =	sadd.s32 @!p0 $0x88, s6;
	s7 =	simm.s32 @p2 $0x1082  }
0x22: {  	[simem:s7], [sflag:s8] =	dma.local @!p0 [hbm:s6], $0xF7A  }
0x23: {  	s9 =	sor.u32 $0xD0000000, s2;
	s6 =	simm.s32 $0x108;
	_ =	swait.ge @!p0 [sflag:s8], $0x0  }
0x24: {  	s3 =	sadd.s32 $0x88, s3;
	s6 =	simm.s32 @!p1 $0x1082;
	[sflag:s4] =	ssyncset.s32 $0xFFFFF086  }
0x25: {  	[simem:s6], [sflag:s4] =	dma.local [hbm:s3], $0xF7A  }
0x26: {  	[smem:$0x3F9E] =	sst s1;
	(tag) =	ssettag s2;
	_ =	strace s9  }
0x27: {  	s1 =	sld [smem:$0x3FAE]  }
0x28: {  	s2 =	sld [smem:$0x3FAF]  }
0x29: {  	s4 =	sld [smem:$0x3FB1]  }
0x2a: {  	p0 =	seq.s32 s5, $0x0;
	s5 =	sld [smem:$0x3FB2]  }
0x2b: {  	s6 =	sld [smem:$0x3FB3]  }
0x2c: {  	s7 =	sld [smem:$0x3FB4]  }
0x2d: {  	s3 =	simm.s32 $0x108;
	s8 =	sld [smem:$0x3FB5]  }
0x2e: {  	s3 =	simm.s32 @!p0 $0x1082;
	s9 =	sld [smem:$0x3FB6]  }
0x2f: {  	lr =	sadd.s32 s0, s3;
	s0 =	sld [smem:$0x3FAD]  }
0x30: {  	s3 =	sld [smem:$0x3FB0]  }
0x31: {  	[smem:$0x3FB9] =	sst s10  }
0x32: {  	s10 =	sld [smem:$0x3FB7];
	_ =	sdelay $0x3  }
0x33: {  	p0 =	seq.s32 s10, $0x1;
	s10 =	sld [smem:$0x3FB9];
	_ =	sdelay $0x3  }
0x34: {  	[smem:$0x3FB9] =	sst s10  }
0x35: {  	s10 =	sld [smem:$0x3FB8];
	_ =	sdelay $0x3  }
0x36: {  	p1 =	seq.s32 s10, $0x1;
	s10 =	sld [smem:$0x3FB9];
	_ =	sdelay $0x3  }
0x37: {  	[smem:$0x3FB9] =	sst s10  }
0x38: {  	s10 =	sld [smem:$0x3FBA]  }
0x39: {  	_ = 	snop;
	(pc) =	sbr.ind lr, $3  }
0x3a: {  	_ = 	snop  }
0x3b: {  	_ = 	snop  }
0x3c: {  	p2 =	seq.s32 s10, $0x1;
	s10 =	sld [smem:$0x3FB9]  }
0x3d: {  	_ =	shalt  }
0x3e: {  	_ =	shalt  }
0x3f: {  	_ =	shalt  }
0x40: {  	_ =	shalt  }
0x41: {  	_ =	shalt  }
0x42: {  	_ =	shalt  }
0x43: {  	_ =	shalt  }
0x44: {  	_ =	shalt  }
0x45: {  	_ =	shalt  }
0x46: {  	_ =	shalt  }
0x47: {  	_ =	shalt  }
0x48: {  	_ =	shalt  }
0x49: {  	_ =	shalt  }
0x4a: {  	_ =	shalt  }
0x4b: {  	_ =	shalt  }
0x4c: {  	_ =	shalt  }
0x4d: {  	_ =	shalt  }
0x4e: {  	_ =	shalt  }
0x4f: {  	_ =	shalt  }
0x50: {  	_ =	shalt  }
0x51: {  	_ =	shalt  }
0x52: {  	_ =	shalt  }
0x53: {  	_ =	shalt  }
0x54: {  	_ =	shalt  }
0x55: {  	_ =	shalt  }
0x56: {  	_ =	shalt  }
0x57: {  	_ =	shalt  }
0x58: {  	_ =	shalt  }
0x59: {  	_ =	shalt  }
0x5a: {  	_ =	shalt  }
0x5b: {  	_ =	shalt  }
0x5c: {  	_ =	shalt  }
0x5d: {  	_ =	shalt  }
0x5e: {  	_ =	shalt  }
0x5f: {  	_ =	shalt  }
0x60: {  	_ =	shalt  }
0x61: {  	_ =	shalt  }
0x62: {  	_ =	shalt  }
0x63: {  	_ =	shalt  }
0x64: {  	_ =	shalt  }
0x65: {  	_ =	shalt  }
0x66: {  	_ =	shalt  }
0x67: {  	_ =	shalt  }
0x68: {  	_ =	shalt  }
0x69: {  	_ =	shalt  }
0x6a: {  	_ =	shalt  }
0x6b: {  	_ =	shalt  }
0x6c: {  	_ =	shalt  }
0x6d: {  	_ =	shalt  }
0x6e: {  	_ =	shalt  }
0x6f: {  	_ =	shalt  }
0x70: {  	_ =	shalt  }
0x71: {  	_ =	shalt  }
0x72: {  	_ =	shalt  }
0x73: {  	_ =	shalt  }
0x74: {  	_ =	shalt  }
0x75: {  	_ =	shalt  }
0x76: {  	_ =	shalt  }
0x77: {  	_ =	shalt  }
0x78: {  	_ =	shalt  }
0x79: {  	_ =	shalt  }
0x7a: {  	_ =	shalt  }
0x7b: {  	_ =	shalt  }
0x7c: {  	_ =	shalt  }
0x7d: {  	_ =	shalt  }
0x7e: {  	_ =	shalt  }
0x7f: {  	_ =	shalt  }
0x80: {  	_ =	shalt  }
0x81: {  	_ =	shalt  }
0x82: {  	_ =	shalt  }
0x83: {  	_ =	shalt  }
0x84: {  	_ =	shalt  }
0x85: {  	_ =	shalt  }
0x86: {  	_ =	shalt  }
0x87: {  	_ =	shalt  }
.Lfunc_end0:
.L_simem_size_0:
called_computation_lowered:
.L_overlay_start_0:
0x88: {  	s2 =	sld [smem:$0x3FD9]  }
0x89: {  	s3 =	sld [smem:$0x3FFE];
	_ =	sdelay $0x1  }
0x8a: {  	s1 =	srdreg.scid  }
0x8b: {  	s0 =	sand.u32 $0x1, s1  }
0x8c: {  	s17 =	sshll.u32 s0, $0xA;
	s2 =	sadd.s32 s3, s2  }
0x8d: {  	s2 =	sadd.s32 s2, s17  }
0x8e: {  	[smem:$0x3FC5] =	sst s2  }
0x8f: {  	_ = 	snop  }
0x90: {  	s2 =	sld [smem:$0x3FC9]  }
0x91: {  	s18 =	sld [smem:$0x3FC7];
	(tm) =	ssettm $0x1  }
0x92: {  	s4 =	sld [smem:$0x3FFB];
	_ =	sdelay $0x3  }
0x93: {  	_ =	strace s4  }
0x94: {  	s4 =	sld [smem:$0x3FFC];
	_ =	sdelay $0x3  }
0x95: {  	_ =	strace s4  }
0x96: {  	s4 =	sld [smem:$0x3FFD];
	_ =	sdelay $0x3  }
0x97: {  	_ =	strace s4  }
0x98: {  	_ =	strace $0x8FFFFFFF  }
0x99: {  	s19 =	sld [smem:$0x3FDB];
	_ =	sdelay $0x1  }
0x9a: {  	s5 =	simm.s32 $_scs_section_size  }
0x9b: {  	s6 =	simm.s32 $_size__tile_overlayer_lowered;
	s7 =	simm.s32 $_tile_overlayer_lowered  }
0x9c: {  	s22 =	simm.s32 $0x1BFF;
	s21 =	sshll.u32 s7, $0x1;
	s4 =	sadd.s32 s5, s19  }
0x9d: {  	s8 =	simm.s32 $0x0;
	s20 =	sshll.u32 s6, $0x1;
	s6 =	sadd.s32 s21, s4  }
0x9e: {  	[timem:s8], [sflag:s22] =	dma.local [hbm:s6], s20  }
0x9f: {  	_ =	swait.ge [sflag:s22], s20  }
0xa0: {  	s5 =	ssub.s32 $0x0, s20;
	[sflag:s22] =	ssyncset.done $0x0  }
0xa1: {  	[sflag:s22] =	ssyncadd.s32 s5;
	_ =	sdelay $0x1  }
0xa2: {  	s23 =	simm.s32 $0x1B8B  }
0xa3: {  	_ =	swait.ge [sflag:s23], $0x1  }
0xa4: {  	[sflag:s23] =	ssyncset.done $0x0  }
0xa5: {  	s25 =	simm.s32 $0x1B8E;
	s24 =	sld [smem:$0x3FFE];
	[sflag:s23] =	ssyncadd.s32 $0xFFFFFFFF  }
0xa6: {  	s26 =	simm.s32 $execute0_lowered;
	[smem:$0x3FD2] =	sst s25  }
0xa7: {  	s6 =	sshll.u32 s26, $0x1;
	_ =	strace $0x80000046;
	[dreg:$0x1] =	wrdreg $0xFFFFFFFF  }
0xa8: {  	s28 =	simm.s32 $_size_execute0_lowered;
	s4 =	sadd.s32 s4, s6;
	[dreg:$0x0] =	wrdreg $0x0  }
0xa9: {  	s6 =	sshll.u32 s28, $0x1;
	[dreg:$0x2] =	wrdreg s4  }
0xaa: {  	[dreg:$0x3] =	wrdreg s6  }
0xab: {  	[dreg:$0x4] =	wrdreg $0xC0  }
0xac: {  	_ =	task [dreg:s8], $0x5FFFF  }
0xad: {  	[dreg:$0x1] =	wrdreg $0xFFFFFFFF  }
0xae: {  	[dreg:$0x0] =	wrdreg $0x60  }
0xaf: {  	[dreg:$0x2] =	wrdreg s18  }
0xb0: {  	[dreg:$0x3] =	wrdreg s2  }
0xb1: {  	[dreg:$0x4] =	wrdreg s24  }
0xb2: {  	[dreg:$0x5] =	wrdreg $0x9  }
0xb3: {  	_ =	task.clear_ibuf [dreg:s8], $0x6FFFF;
	_ =	strace $0x90000046  }
0xb4: {  	s29 =	simm.s32 $0x9;
	_ =	strace $0x80000048  }
0xb5: {  	_ =	swait.ge [sflag:s29], $0x1  }
0xb6: {  	[sflag:s29] =	ssyncadd.s32 $0xFFFFFFFF  }
0xb7: {  	_ =	strace $0x90000048  }
0xb8: {  	_ =	sfence  }
0xb9: {  	s30 =	sld [smem:$0x0];
	_ =	sdelay $0x2  }
0xba: {  	s31 =	sshll.u32 s1, $0xD;
	s1 =	sshrl.u32 s1, $0x2  }
0xbb: {  	s3 =	sand.u32 $0x4000, s31;
	s1 =	sadd.s32 s1, s30  }
0xbc: {  	s0 =	sor.u32 s3, s0;
	s1 =	sshll.u32 s1, $0x11  }
0xbd: {  	s0 =	sor.u32 s1, s0  }
0xbe: {  	s0 =	sadd.s32 $0x8F2B, s0  }
0xbf: {  	[sflag:s0] =	ssyncadd.remote.s32 $0x1  }
0xc0: {  	_ =	sfence.sel $0xFFFF  }
0xc1: {  	[dreg:$0x0] =	wrdreg $0xFFFFFFFF;
	(pc) =	sbr.abs _section_cstart, $3  }
0xc2: {  	[dreg:$0x1] =	wrdreg $0xFFFFFFFF  }
0xc3: {  	_ =	task.clear_ibuf [dreg:s8], $0x2FFFF;
	_ =	strace $0x9FFFFFFF  }
0xc4: {  	(tm) =	ssettm $0x7FFFFFFF  }
0xc5: {  	_ =	shalt  }
tec
execute0_lowered:
.L_overlay_start_1:
0x0: {  	(tag) =	ssettag $0x1  }
0x1: {  	s1 =	rddreg [dreg:$0x0]  }
0x2: {  	s3 =	rddreg [dreg:$0x1]  }
0x3: {  	s0 =	rddreg [dreg:$0x2]  }
0x4: {  	s2 =	srdreg.scid;
	s5 =	stileid.u32  }
0x5: {  	s4 =	simm.s32 $0x0;
	s14 =	simm.s32 $0x9;
	s30 =	simm.s32 $0x6200  }
0x6: {  	s31 =	simm.s32 $0x6A00;
	s15 =	simm.s32 $0x8200;
	s16 =	simm.s32 $0x8A00  }
0x7: {  	s17 =	simm.s32 $0x12200;
	s18 =	simm.s32 $0x18200;
	s19 =	simm.s32 $0xA  }
0x8: {  	s20 =	simm.s32 $0x0;
	s2 =	sand.u32 $0x1, s2;
	s5 =	sshll.u32 s5, $0x1  }
0x9: {  	[smem:$0x7FF] =	sst s4;
	s7 =	sadd.s32 $0x100, s1;
	s9 =	sadd.s32 $0x200, s1  }
0xa: {  	s6 =	sor.u32 s2, s5;
	_ =	strace $0x80000047;
	s2 =	ssub.s32 $0x2, s2  }
0xb: {  	v0 =	vlaneseq.u32;
	s5 =	sshll.u32 s6, $0x4;
	s29 =	sshrl.u32 s2, $0x1;
	s8 =	smul.u32 $0xC000, s6  }
0xc: {  	v1 =	vand.u32 $0x7, v0;
	v2 =	vshrl.u32 v0, $0x3;
	s12 =	sadd.s32 s5, s0;
	s5 =	sshll.u32 s6, $0x9;
	s6 =	sshll.u32 s6, $0x6  }
0xd: {  	v0 =	vor.u32 $0x8, v0;
	[tilespmem:$0x1FFD0] =	vst v1;
	v63 =	vmul.u32 $0x8, v2;
	s2 =	ssub.s32 s2, s29;
	s6 =	sadd.s32 s0, s6;
	s8 =	sadd.s32 s3, s8  }
0xe: {  	[tilespmem:$0x1FFF0] =	vst v0;
	s12 =	sadd.s32 $0x800, s12;
	s13 =	smax.u32 s2, $0x1;
	s0 =	simm.s32 $0x7200  }
0xf: {  	vm0 =	vmmov $0xffff;
	[tilespmem:$0x1FFE0] =	vst v63;
	s2 =	simm.s32 $0x7A00;
	s10 =	sadd.s32 $0x600, s8;
	s11 =	sadd.s32 $0xC00, s8  }
.LBB2_1:
0x10: {  	[tilespmem:s4], [sflag:$0x9] =	stream.linear.gather [hbm4b:s6+s4], $0x200, $0x38;
	[tilespmem:$0x18280] =	vst v63  }
0x11: {  	_ =	swait.ge [sflag:s14], $0x200  }
0x12: {  	[sflag:s14] =	ssyncset.done $0x0  }
0x13: {  	[sflag:s14] =	ssyncadd.s32 $0xFFFFFE00  }
0x14: {  	v0 =	vld [tilespmem:$0x0];
	_ =	sdelay $0x3  }
0x15: {  	v2 =	vld [tilespmem:$0x1FFD0]  }
0x16: {  	v4 =	vshrl.u32 v0, $0x3  }
0x17: {  	v3 =	vld [tilespmem:$0x1FFE0];
	v4 =	vmul.u32 $0x30, v4  }
0x18: {  	v0 =	vand.u32 $0x7, v0  }
0x19: {  	v0 =	vor.u32 v0, v4  }
0x1a: {  	v4 =	vperm.xlane v0, v2  }
0x1b: {  	v61 =	vld [tilespmem:$0x1FFF0]  }
0x1c: {  	v4 =	vadd.s32 v3, v4;
	_ =	sdelay $0x2  }
0x1d: {  	v1 =	vimm.f32 $0.0e+00  }
0x1e: {  	s21 =	simm.s32 $0x200;
	[tilespmem:$0x18200] =	vst v1;
	v0 =	vperm.xlane v0, v61  }
0x1f: {  	[tilespmem:s21], [sflag:$0x1] =	stream.indirect_vreg.gather [hbm4b:s1+s4], $0x80, v4, vm0, $0xb8;
	[tilespmem:$0x18280] =	vst v63  }
0x20: {  	s23 =	simm.s32 $0xA00;
	v0 =	vadd.s32 v3, v0  }
0x21: {  	[tilespmem:s23], [sflag:$0x1] =	stream.indirect_vreg.gather [hbm4b:s7+s4], $0x80, v4, vm0, $0xb8;
	[tilespmem:$0x18280] =	vst v63  }
0x22: {  	s24 =	simm.s32 $0x1200  }
0x23: {  	[tilespmem:s24], [sflag:$0x1] =	stream.indirect_vreg.gather [hbm4b:s9+s4], $0x80, v4, vm0, $0xb8;
	[tilespmem:$0x18280] =	vst v63  }
0x24: {  	s25 =	simm.s32 $0x1A00  }
0x25: {  	[tilespmem:s25], [sflag:$0x1] =	stream.indirect_vreg.gather [hbm4b:s1+s4], $0x80, v0, vm0, $0xb8;
	[tilespmem:$0x18280] =	vst v63  }
0x26: {  	s26 =	simm.s32 $0x2200  }
0x27: {  	[tilespmem:s26], [sflag:$0x1] =	stream.indirect_vreg.gather [hbm4b:s7+s4], $0x80, v0, vm0, $0xb8;
	[tilespmem:$0x18280] =	vst v63  }
0x28: {  	s28 =	simm.s32 $0x2A00  }
0x29: {  	[tilespmem:s28], [sflag:$0x1] =	stream.indirect_vreg.gather [hbm4b:s9+s4], $0x80, v0, vm0, $0xb8;
	[tilespmem:$0x18280] =	vst v63  }
0x2a: {  	s29 =	simm.s32 $0xC200  }
0x2b: {  	[tilespmem:s29], [sflag:$0x5] =	stream.linear.gather [hbm4b:s8+s4], $0x3000, $0x38;
	[tilespmem:$0x18280] =	vst v63  }
0x2c: {  	v0 =	vld [tilespmem:$0x10];
	_ =	sdelay $0x4  }
0x2d: {  	v62 =	vshrl.u32 v0, $0x3  }
0x2e: {  	v4 =	vmul.u32 $0x30, v62  }
0x2f: {  	v0 =	vand.u32 $0x7, v0  }
0x30: {  	v0 =	vor.u32 v0, v4  }
0x31: {  	v4 =	vperm.xlane v0, v2;
	_ =	sdelay $0x1  }
0x32: {  	v4 =	vadd.s32 v3, v4;
	_ =	sdelay $0x3  }
0x33: {  	s22 =	simm.s32 $0x3200;
	v0 =	vperm.xlane v0, v61  }
0x34: {  	[tilespmem:s22], [sflag:$0x2] =	stream.indirect_vreg.gather [hbm4b:s1+s4], $0x80, v4, vm0, $0xb8;
	[tilespmem:$0x18280] =	vst v63  }
0x35: {  	s23 =	simm.s32 $0x3A00;
	v0 =	vadd.s32 v3, v0  }
0x36: {  	[tilespmem:s23], [sflag:$0x2] =	stream.indirect_vreg.gather [hbm4b:s7+s4], $0x80, v4, vm0, $0xb8;
	[tilespmem:$0x18280] =	vst v63  }
0x37: {  	s24 =	simm.s32 $0x4200  }
0x38: {  	[tilespmem:s24], [sflag:$0x2] =	stream.indirect_vreg.gather [hbm4b:s9+s4], $0x80, v4, vm0, $0xb8;
	[tilespmem:$0x18280] =	vst v63  }
0x39: {  	s25 =	simm.s32 $0x4A00  }
0x3a: {  	[tilespmem:s25], [sflag:$0x2] =	stream.indirect_vreg.gather [hbm4b:s1+s4], $0x80, v0, vm0, $0xb8;
	[tilespmem:$0x18280] =	vst v63  }
0x3b: {  	s26 =	simm.s32 $0x5200  }
0x3c: {  	[tilespmem:s26], [sflag:$0x2] =	stream.indirect_vreg.gather [hbm4b:s7+s4], $0x80, v0, vm0, $0xb8;
	[tilespmem:$0x18280] =	vst v63  }
0x3d: {  	s28 =	simm.s32 $0x5A00  }
0x3e: {  	[tilespmem:s28], [sflag:$0x2] =	stream.indirect_vreg.gather [hbm4b:s9+s4], $0x80, v0, vm0, $0xb8;
	[tilespmem:$0x18280] =	vst v63  }
0x3f: {  	s29 =	simm.s32 $0xF200  }
0x40: {  	[tilespmem:s29], [sflag:$0x6] =	stream.linear.gather [hbm4b:s10+s4], $0x3000, $0x38;
	[tilespmem:$0x18280] =	vst v63  }
0x41: {  	v0 =	vld [tilespmem:$0x20];
	_ =	sdelay $0x4  }
0x42: {  	v63 =	vshrl.u32 v0, $0x3  }
0x43: {  	v4 =	vmul.u32 $0x30, v63  }
0x44: {  	v0 =	vand.u32 $0x7, v0  }
0x45: {  	v0 =	vor.u32 v0, v4  }
0x46: {  	v4 =	vperm.xlane v0, v2;
	_ =	sdelay $0x1  }
0x47: {  	v4 =	vadd.s32 v3, v4;
	_ =	sdelay $0x3  }
0x48: {  	v0 =	vperm.xlane v0, v61  }
0x49: {  	[tilespmem:s30], [sflag:$0x3] =	stream.indirect_vreg.gather [hbm4b:s1+s4], $0x80, v4, vm0, $0xb8;
	[tilespmem:$0x18280] =	vst v63  }
0x4a: {  	v0 =	vadd.s32 v3, v0  }
0x4b: {  	[tilespmem:s31], [sflag:$0x3] =	stream.indirect_vreg.gather [hbm4b:s7+s4], $0x80, v4, vm0, $0xb8;
	[tilespmem:$0x18280] =	vst v63  }
0x4c: {  	_ = 	snop  }
0x4d: {  	[tilespmem:s0], [sflag:$0x3] =	stream.indirect_vreg.gather [hbm4b:s9+s4], $0x80, v4, vm0, $0xb8;
	[tilespmem:$0x18280] =	vst v63  }
0x4e: {  	_ = 	snop  }
0x4f: {  	[tilespmem:s2], [sflag:$0x3] =	stream.indirect_vreg.gather [hbm4b:s1+s4], $0x80, v0, vm0, $0xb8;
	[tilespmem:$0x18280] =	vst v63  }
0x50: {  	_ = 	snop  }
0x51: {  	[tilespmem:s15], [sflag:$0x3] =	stream.indirect_vreg.gather [hbm4b:s7+s4], $0x80, v0, vm0, $0xb8;
	[tilespmem:$0x18280] =	vst v63  }
0x52: {  	_ = 	snop  }
0x53: {  	[tilespmem:s16], [sflag:$0x3] =	stream.indirect_vreg.gather [hbm4b:s9+s4], $0x80, v0, vm0, $0xb8;
	[tilespmem:$0x18280] =	vst v63  }
0x54: {  	s21 =	simm.s32 $0x0  }
0x55: {  	[tilespmem:s17], [sflag:$0x7] =	stream.linear.gather [hbm4b:s11+s4], $0x3000, $0x38;
	[tilespmem:$0x18280] =	vst v63  }
.LBB2_2:
0x56: {  	p0 =	sgt.u32 s21, $0x1C  }
0x57: {  	s22 =	sadd.s32 @!p0 $0x3, s21  }
0x58: {  	s23 =	sshll.u32 @!p0 s22, $0x4  }
0x59: {  	v0 =	vld @!p0 [tilespmem:s23+$0x0];
	_ =	sdelay $0x4  }
0x5a: {  	v4 =	vshrl.u32 @!p0 v0, $0x3  }
0x5b: {  	v4 =	vmul.u32 @!p0 $0x30, v4  }
0x5c: {  	v5 =	vlaneseq.u32 @!p0;
	v0 =	vand.u32 @!p0 $0x7, v0  }
0x5d: {  	v6 =	vshrl.u32 @!p0 v5, $0x3;
	v0 =	vor.u32 @!p0 v0, v4;
	v4 =	vand.u32 @!p0 $0x7, v5  }
0x5e: {  	v6 =	vmul.u32 @!p0 $0x8, v6;
	v4 =	vperm.xlane @!p0 v0, v4;
	_ =	sdelay $0x1  }
0x5f: {  	v4 =	vadd.s32 @!p0 v6, v4  }
0x60: {  	s22 =	sand.u32 @!p0 $0x3, s22  }
0x61: {  	s24 =	smul.u32 @!p0 $0x3000, s22  }
0x62: {  	v5 =	vor.u32 @!p0 $0x8, v5  }
0x63: {  	vm1 =	vmmov @!p0 $0xffff;
	s28 =	simm.s32 @!p0 $0x0;
	s26 =	sadd.s32 @!p0 $0x1, s22;
	s25 =	sor.u32 @!p0 $0x200, s24;
	v0 =	vperm.xlane @!p0 v0, v5  }
0x64: {  	[tilespmem:s25], [sflag:s26] =	stream.indirect_vreg.gather @!p0 [hbm4b:s1+s28], $0x80, v4, vm1, $0xb8;
	[tilespmem:$0x18280] =	vst v63  }
0x65: {  	v0 =	vadd.s32 @!p0 v6, v0;
	s25 =	sor.u32 @!p0 $0xA00, s24  }
0x66: {  	[tilespmem:s25], [sflag:s26] =	stream.indirect_vreg.gather @!p0 [hbm4b:s7+s28], $0x80, v4, vm1, $0xb8;
	[tilespmem:$0x18280] =	vst v63  }
0x67: {  	s25 =	sadd.s32 @!p0 $0x1200, s24  }
0x68: {  	[tilespmem:s25], [sflag:s26] =	stream.indirect_vreg.gather @!p0 [hbm4b:s9+s28], $0x80, v4, vm1, $0xb8;
	[tilespmem:$0x18280] =	vst v63  }
0x69: {  	s23 =	sadd.s32 @!p0 s5, s23;
	s25 =	sadd.s32 @!p0 $0x1A00, s24  }
0x6a: {  	[tilespmem:s25], [sflag:s26] =	stream.indirect_vreg.gather @!p0 [hbm4b:s1+s28], $0x80, v0, vm1, $0xb8;
	[tilespmem:$0x18280] =	vst v63  }
0x6b: {  	s23 =	sshrl.u32 @!p0 s23, $0x3;
	s25 =	sadd.s32 @!p0 $0x2200, s24  }
0x6c: {  	[tilespmem:s25], [sflag:s26] =	stream.indirect_vreg.gather @!p0 [hbm4b:s7+s28], $0x80, v0, vm1, $0xb8;
	[tilespmem:$0x18280] =	vst v63  }
0x6d: {  	s23 =	smul.u32 @!p0 $0x300, s23;
	s25 =	sadd.s32 @!p0 $0x2A00, s24  }
0x6e: {  	[tilespmem:s25], [sflag:s26] =	stream.indirect_vreg.gather @!p0 [hbm4b:s9+s28], $0x80, v0, vm1, $0xb8;
	[tilespmem:$0x18280] =	vst v63  }
0x6f: {  	s22 =	sadd.s32 @!p0 $0x5, s22;
	s23 =	sadd.s32 @!p0 s3, s23;
	s24 =	sadd.s32 @!p0 $0xC200, s24  }
0x70: {  	[tilespmem:s24], [sflag:s22] =	stream.linear.gather @!p0 [hbm4b:s23+s28], $0x3000, $0x38;
	[tilespmem:$0x18280] =	vst v63  }
0x71: {  	s24 =	sand.u32 $0x3, s21  }
0x72: {  	s25 =	sadd.s32 $0x1, s24  }
0x73: {  	_ =	swait.ge [sflag:s25], $0x3000  }
0x74: {  	s28 =	simm.s32 $0x0;
	[sflag:s25] =	ssyncset.done $0x0  }
0x75: {  	s26 =	sadd.s32 $0x5, s24;
	s22 =	smul.u32 $0x3000, s24;
	[sflag:s25] =	ssyncadd.s32 $0xFFFFD000  }
0x76: {  	s29 =	smul.u32 $0x1800, s28;
	_ =	swait.ge [sflag:s26], $0x3000  }
0x77: {  	s23 =	simm.s32 $0x0;
	[sflag:s26] =	ssyncset.done $0x0  }
0x78: {  	s28 =	sand.u32 $0x380, s23;
	[sflag:s26] =	ssyncadd.s32 $0xFFFFD000;
	s26 =	sadd.s32 s22, s29  }
0x79: {  	v0 =	vld [tilespmem:$0x18200];
	s29 =	sadd.s32 s28, s26  }
0x7a: {  	v2 =	vld [tilespmem:s29+$0x1640]  }
0x7b: {  	v25 =	vld [tilespmem:s29+$0xD640]  }
0x7c: {  	v19 =	vld [tilespmem:s29+$0x1650]  }
0x7d: {  	v1 =	vld [tilespmem:s29+$0xD660]  }
0x7e: {  	v41 =	vld [tilespmem:s29+$0x1670]  }
0x7f: {  	v39 =	vld [tilespmem:s29+$0x1600]  }
0x80: {  	v28 =	vld [tilespmem:s29+$0xD600]  }
0x81: {  	v26 =	vld [tilespmem:s29+$0x1610]  }
0x82: {  	v27 =	vld [tilespmem:s29+$0xD610]  }
0x83: {  	v40 =	vld [tilespmem:s29+$0x1620]  }
0x84: {  	v7 =	vld [tilespmem:s29+$0xD620]  }
0x85: {  	v36 =	vld [tilespmem:s29+$0x1240]  }
0x86: {  	v21 =	vld [tilespmem:s29+$0xD240]  }
0x87: {  	v33 =	vld [tilespmem:s29+$0xD250]  }
0x88: {  	v35 =	vld [tilespmem:s29+$0x1260]  }
0x89: {  	v10 =	vld [tilespmem:s29+$0xD260]  }
0x8a: {  	v42 =	vld [tilespmem:s29+$0x1270]  }
0x8b: {  	v44 =	vld [tilespmem:s29+$0xD270]  }
0x8c: {  	v31 =	vld [tilespmem:s29+$0x1200]  }
0x8d: {  	v9 =	vld [tilespmem:s29+$0xD200]  }
0x8e: {  	v46 =	vld [tilespmem:s29+$0x1210]  }
0x8f: {  	v17 =	vld [tilespmem:s29+$0xD210]  }
0x90: {  	v12 =	vld [tilespmem:s29+$0x1220]  }
0x91: {  	v11 =	vld [tilespmem:s29+$0xD220]  }
0x92: {  	v22 =	vld [tilespmem:s29+$0x1230]  }
0x93: {  	v43 =	vld [tilespmem:s29+$0xD230]  }
0x94: {  	v45 =	vld [tilespmem:s29+$0xE40]  }
0x95: {  	v47 =	vld [tilespmem:s29+$0xCE40]  }
0x96: {  	v48 =	vld [tilespmem:s29+$0xE50]  }
0x97: {  	v49 =	vld [tilespmem:s29+$0xCE50]  }
0x98: {  	v50 =	vld [tilespmem:s29+$0xE60]  }
0x99: {  	v51 =	vld [tilespmem:s29+$0xCE60]  }
0x9a: {  	v52 =	vld [tilespmem:s29+$0xE70]  }
0x9b: {  	v53 =	vld [tilespmem:s29+$0xCE70]  }
0x9c: {  	v16 =	vld [tilespmem:s29+$0xE00]  }
0x9d: {  	v55 =	vld [tilespmem:s29+$0xCE00]  }
0x9e: {  	v56 =	vld [tilespmem:s29+$0xE10]  }
0x9f: {  	v57 =	vld [tilespmem:s29+$0xCE10]  }
0xa0: {  	v58 =	vld [tilespmem:s29+$0xE20]  }
0xa1: {  	v59 =	vld [tilespmem:s29+$0xCE20]  }
0xa2: {  	v60 =	vld [tilespmem:s29+$0xE30]  }
0xa3: {  	v61 =	vld [tilespmem:s29+$0xCE30]  }
0xa4: {  	v62 =	vld [tilespmem:s29+$0xA40]  }
0xa5: {  	v63 =	vld [tilespmem:s29+$0xCA40]  }
0xa6: {  	v5 =	vld [tilespmem:s29+$0xA50]  }
0xa7: {  	v24 =	vld [tilespmem:s29+$0xCA50]  }
0xa8: {  	v54 =	vld [tilespmem:s29+$0xA60]  }
0xa9: {  	v29 =	vld [tilespmem:s29+$0xCA60]  }
0xaa: {  	v8 =	vld [tilespmem:s29+$0xCA70]  }
0xab: {  	v23 =	vld [tilespmem:s29+$0xA00]  }
0xac: {  	v15 =	vld [tilespmem:s29+$0xCA00]  }
0xad: {  	v34 =	vld [tilespmem:s29+$0xA10]  }
0xae: {  	[tilespmem:$0x1FE90] =	vst v0;
	v0 =	vld [tilespmem:s29+$0xD650]  }
0xaf: {  	v32 =	vld [tilespmem:s29+$0xCA10]  }
0xb0: {  	v30 =	vld [tilespmem:s29+$0xA20]  }
0xb1: {  	v20 =	vld [tilespmem:s29+$0xCA20]  }
0xb2: {  	v38 =	vld [tilespmem:s29+$0xA30]  }
0xb3: {  	[tilespmem:$0x1FEA0] =	vst v0;
	v0 =	vld [tilespmem:s29+$0x1660]  }
0xb4: {  	s25 =	sor.u32 s28, s26;
	v37 =	vld [tilespmem:s29+$0xCA30]  }
0xb5: {  	v4 =	vld [tilespmem:s25+$0x640]  }
0xb6: {  	v18 =	vld [tilespmem:s25+$0x650]  }
0xb7: {  	v14 =	vld [tilespmem:s25+$0xC650]  }
0xb8: {  	[tilespmem:$0x1FEB0] =	vst v0;
	v0 =	vld [tilespmem:s29+$0xD670]  }
0xb9: {  	v6 =	vsub.f32 v2, v25;
	v2 =	vld [tilespmem:$0x1FEA0]  }
0xba: {  	v13 =	vld [tilespmem:s25+$0x660]  }
0xbb: {  	v3 =	vld [tilespmem:s25+$0xC660]  }
0xbc: {  	v25 =	vsub.f32 v39, v28;
	v28 =	vld [tilespmem:s25+$0x600]  }
0xbd: {  	[tilespmem:$0x1FED0] =	vst v0;
	v0 =	vld [tilespmem:s29+$0x1630]  }
0xbe: {  	v26 =	vsub.f32 v26, v27;
	v19 =	vsub.f32 v19, v2;
	v2 =	vld [tilespmem:$0x1FEB0]  }
0xbf: {  	v27 =	vsub.f32 v36, v21;
	v36 =	vld [tilespmem:s25+$0xC600];
	v44 =	vsub.f32 v42, v44  }
0xc0: {  	v42 =	vld [tilespmem:s25+$0xC610]  }
0xc1: {  	v45 =	vsub.f32 v45, v47;
	v47 =	vsub.f32 v22, v43;
	v43 =	vld [tilespmem:s25+$0xC620];
	[tilespmem:$0x1FF50] =	vst v44  }
0xc2: {  	v44 =	vsub.f32 v46, v17;
	[tilespmem:$0x1FF00] =	vst v0;
	v0 =	vld [tilespmem:s29+$0xD630]  }
0xc3: {  	[tilespmem:$0x1FF70] =	vst v47;
	v47 =	vsub.f32 v48, v49;
	v49 =	vld [tilespmem:s25+$0x630];
	v1 =	vsub.f32 v2, v1  }
0xc4: {  	v46 =	vsub.f32 v12, v11;
	v48 =	vsub.f32 v16, v55;
	v55 =	vld [tilespmem:s25+$0xC630]  }
0xc5: {  	[tilespmem:$0x1FEC0] =	vst v1;
	v1 =	vld [tilespmem:$0x1FED0]  }
0xc6: {  	[tilespmem:$0x1FF60] =	vst v46;
	v46 =	vld [tilespmem:s25+$0x620]  }
0xc7: {  	[tilespmem:$0x1FF10] =	vst v0;
	v0 =	vld [tilespmem:s29+$0x1250]  }
0xc8: {  	v2 =	vld [tilespmem:s25+$0x670]  }
0xc9: {  	v39 =	vld [tilespmem:$0x1FF00]  }
0xca: {  	v1 =	vsub.f32 v41, v1;
	v41 =	vsub.f32 v35, v10;
	v35 =	vld [tilespmem:s25+$0x610]  }
0xcb: {  	v21 =	vld [tilespmem:$0x1FF10]  }
0xcc: {  	[tilespmem:$0x1FF30] =	vst v0;
	v0 =	vld [tilespmem:s29+$0xA70]  }
0xcd: {  	v7 =	vsub.f32 v40, v7;
	v40 =	vld [tilespmem:$0x1FF30]  }
0xce: {  	[tilespmem:$0x1FEE0] =	vst v1;
	v1 =	vld [tilespmem:s25+$0xC670]  }
0xcf: {  	[tilespmem:$0x1FF40] =	vst v41;
	v41 =	vsub.f32 v52, v53;
	v52 =	vld [tilespmem:s25+$0x240]  }
0xd0: {  	v53 =	vsub.f32 v5, v24;
	v24 =	vsub.f32 v54, v29;
	v29 =	vld [tilespmem:s25+$0x260]  }
0xd1: {  	[tilespmem:$0x1FEF0] =	vst v7;
	v7 =	vsub.f32 v39, v21;
	v39 =	vsub.f32 v58, v59;
	v58 =	vld [tilespmem:s25+$0xC240]  }
0xd2: {  	v21 =	vsub.f32 v60, v61;
	[tilespmem:$0x1FF80] =	vst v0;
	v0 =	vld [tilespmem:s25+$0xC640];
	v33 =	vsub.f32 v40, v33  }
0xd3: {  	v60 =	vld [tilespmem:s25+$0xC250];
	v40 =	vsub.f32 v50, v51;
	v51 =	vsub.f32 v56, v57  }
0xd4: {  	v50 =	vsub.f32 v62, v63;
	v63 =	vld [tilespmem:$0x1FF80];
	v57 =	vsub.f32 v34, v32  }
0xd5: {  	[tilespmem:$0x1FF20] =	vst v7;
	v56 =	vld [tilespmem:s25+$0x250];
	v32 =	vsub.f32 v38, v37;
	v38 =	vsub.f32 v2, v1;
	v1 =	vimm.f32 $0.0e+00  }
0xd6: {  	v31 =	vsub.f32 v31, v9;
	v34 =	vsub.f32 v30, v20;
	v30 =	vld [tilespmem:s25+$0xC260];
	[tilespmem:$0x1FFA0] =	vst v1;
	v1 =	vimm.f32 $0.0e+00  }
0xd7: {  	v54 =	vsub.f32 v23, v15;
	v62 =	vld [tilespmem:s25+$0x200];
	[tilespmem:$0x1FFB0] =	vst v1;
	v59 =	vsub.f32 v4, v0;
	v0 =	vimm.f32 $0.0e+00  }
0xd8: {  	v61 =	vsub.f32 v18, v14;
	v14 =	vmul.f32 v19, v19;
	v1 =	vimm.f32 $0.0e+00;
	[tilespmem:$0x1FF90] =	vst v0;
	v0 =	vld [tilespmem:s25+$0xC200]  }
0xd9: {  	s24 =	simm.s32 $0x1;
	v37 =	vsub.f32 v13, v3;
	v13 =	vmul.f32 v6, v6;
	[tilespmem:$0x1FFC0] =	vst v1;
	v23 =	vsub.f32 v63, v8;
	v63 =	vld [tilespmem:s25+$0x210]  }
.LBB2_3:
0xda: {  	v1 =	vld [tilespmem:s25+$0xC210]  }
0xdb: {  	v3 =	vld [tilespmem:s25+$0x220]  }
0xdc: {  	v7 =	vmul.f32 v27, v27;
	v27 =	vld [tilespmem:s25+$0xC220]  }
0xdd: {  	v18 =	vld [tilespmem:s25+$0x270]  }
0xde: {  	s26 =	sshrl.u32 s24, $0x3;
	v19 =	vld [tilespmem:s25+$0xC270]  }
0xdf: {  	s26 =	smul.u32 $0x1800, s26;
	v2 =	vsub.f32 v28, v36;
	v28 =	vld [tilespmem:s25+$0x230]  }
0xe0: {  	s23 =	sadd.s32 $0x80, s23;
	v4 =	vsub.f32 v35, v42;
	v35 =	vsub.f32 v46, v43;
	v43 =	vmul.f32 v31, v31;
	v31 =	vld [tilespmem:s25+$0xC230]  }
0xe1: {  	s28 =	sand.u32 $0x380, s23;
	s26 =	sadd.s32 s22, s26;
	v42 =	vmul.f32 v33, v33;
	v33 =	vld [tilespmem:$0x1FFB0]  }
0xe2: {  	v16 =	vsub.f32 v52, v58;
	v52 =	vmul.f32 v53, v53;
	s29 =	sadd.s32 s28, s26;
	v53 =	vld [tilespmem:$0x1FFC0]  }
0xe3: {  	v8 =	vld [tilespmem:s29+$0x1640]  }
0xe4: {  	v58 =	vld [tilespmem:s29+$0xD640]  }
0xe5: {  	v17 =	vsub.f32 v56, v60;
	v56 =	vmul.f32 v59, v59;
	v59 =	vld [tilespmem:s29+$0x1650]  }
0xe6: {  	v60 =	vld [tilespmem:s29+$0xD650]  }
0xe7: {  	v46 =	vmul.f32 v47, v47;
	v0 =	vsub.f32 v62, v0;
	v62 =	vld [tilespmem:s29+$0x1660]  }
0xe8: {  	v47 =	vmul.f32 v48, v48;
	v48 =	vmul.f32 v51, v51;
	v51 =	vsub.f32 v18, v19;
	v18 =	vld [tilespmem:$0x1FFA0]  }
0xe9: {  	v19 =	vld [tilespmem:s29+$0x1670]  }
0xea: {  	v5 =	vmul.f32 v25, v25;
	v25 =	vld [tilespmem:s29+$0x1600]  }
0xeb: {  	v6 =	vmul.f32 v26, v26;
	v26 =	vld [tilespmem:s29+$0xD610]  }
0xec: {  	v36 =	vsub.f32 v49, v55;
	v3 =	vsub.f32 v3, v27;
	v27 =	vld [tilespmem:s29+$0xD240]  }
0xed: {  	v55 =	vmul.f32 v57, v57;
	v57 =	vmul.f32 v61, v61;
	v61 =	vsub.f32 v29, v30;
	v30 =	vld [tilespmem:s29+$0xE40]  }
0xee: {  	v29 =	vld [tilespmem:s29+$0xE50]  }
0xef: {  	v22 =	vld [tilespmem:s29+$0xA40]  }
0xf0: {  	v12 =	vld [tilespmem:s29+$0xA00]  }
0xf1: {  	v11 =	vld [tilespmem:s29+$0xCA00]  }
0xf2: {  	v9 =	vld [tilespmem:s29+$0xA10]  }
0xf3: {  	v49 =	vmul.f32 v17, v17;
	v17 =	vld [tilespmem:$0x1FF90]  }
0xf4: {  	v15 =	vmul.f32 v61, v61;
	v61 =	vld [tilespmem:s29+$0x1610]  }
0xf5: {  	v20 =	vmul.f32 v35, v35;
	v35 =	vld [tilespmem:s29+$0xD620];
	v3 =	vmul.f32 v3, v3  }
0xf6: {  	v31 =	vsub.f32 v28, v31;
	v28 =	vld [tilespmem:s29+$0xD660]  }
0xf7: {  	v3 =	vadd.f32 v3, v33;
	v33 =	vmul.f32 v23, v23;
	v23 =	vld [tilespmem:s29+$0xA70]  }
0xf8: {  	[tilespmem:$0x1FE00] =	vst v59;
	v59 =	vld [tilespmem:s29+$0xD670]  }
0xf9: {  	v1 =	vsub.f32 v63, v1;
	[tilespmem:$0x1FE10] =	vst v60;
	v60 =	vmul.f32 v36, v36;
	v36 =	vld [tilespmem:s29+$0xD600]  }
0xfa: {  	s25 =	sor.u32 s28, s26;
	v0 =	vmul.f32 v0, v0;
	[tilespmem:$0x1FDF0] =	vst v58;
	v58 =	vmul.f32 v16, v16;
	v16 =	vld [tilespmem:s29+$0xCA20]  }
0xfb: {  	v1 =	vmul.f32 v1, v1;
	[tilespmem:$0x1FDE0] =	vst v8;
	v8 =	vld [tilespmem:s25+$0x650]  }
0xfc: {  	v0 =	vadd.f32 v0, v17;
	v17 =	vld [tilespmem:s29+$0x1620]  }
0xfd: {  	v1 =	vadd.f32 v1, v18;
	v63 =	vmul.f32 v31, v31;
	v31 =	vld [tilespmem:s29+$0xD200]  }
0xfe: {  	[tilespmem:$0x1FE50] =	vst v61;
	v61 =	vld [tilespmem:s29+$0xCE20]  }
0xff: {  	v1 =	vadd.f32 v49, v1;
	v49 =	vld [tilespmem:s29+$0x1260]  }
0x100: {  	v18 =	vadd.f32 v63, v53;
	v63 =	vmul.f32 v34, v34;
	v34 =	vld [tilespmem:s29+$0xD630]  }
0x101: {  	v3 =	vadd.f32 v15, v3;
	v0 =	vadd.f32 v58, v0;
	v58 =	vld [tilespmem:s29+$0x1240]  }
0x102: {  	[tilespmem:$0x1FE30] =	vst v19;
	v19 =	vmul.f32 v51, v51;
	v53 =	vld [tilespmem:$0x1FF20]  }
0x103: {  	v3 =	vadd.f32 v20, v3;
	v20 =	vld [tilespmem:s25+$0x640]  }
0x104: {  	v4 =	vmul.f32 v4, v4;
	v15 =	vadd.f32 v19, v18;
	v19 =	vmul.f32 v32, v32;
	v32 =	vld [tilespmem:s29+$0x1630]  }
0x105: {  	[tilespmem:$0x1FE40] =	vst v59;
	v59 =	vld [tilespmem:s29+$0xCE10]  }
0x106: {  	v1 =	vadd.f32 v4, v1;
	v18 =	vld [tilespmem:s29+$0xA20]  }
0x107: {  	v25 =	vsub.f32 v25, v36;
	v36 =	vld [tilespmem:$0x1FE30]  }
0x108: {  	v2 =	vmul.f32 v2, v2;
	v1 =	vadd.f32 v57, v1;
	v57 =	vld [tilespmem:$0x1FEE0]  }
0x109: {  	[tilespmem:$0x1FE60] =	vst v17;
	v17 =	vld [tilespmem:s29+$0xA30]  }
0x10a: {  	[tilespmem:$0x1FE20] =	vst v62;
	v0 =	vadd.f32 v2, v0;
	v62 =	vadd.f32 v60, v15;
	v60 =	vld [tilespmem:s29+$0xE20]  }
0x10b: {  	v15 =	vmul.f32 v38, v38;
	v38 =	vmul.f32 v21, v21;
	v21 =	vld [tilespmem:s29+$0xCA40]  }
0x10c: {  	v54 =	vmul.f32 v54, v54;
	v0 =	vadd.f32 v56, v0;
	v1 =	vadd.f32 v55, v1;
	v55 =	vld [tilespmem:s29+$0x1250]  }
0x10d: {  	v2 =	vmul.f32 v37, v37;
	[tilespmem:$0x1FE80] =	vst v34;
	v34 =	vld [tilespmem:s29+$0xD220]  }
0x10e: {  	v0 =	vadd.f32 v54, v0;
	v54 =	vld [tilespmem:$0x1FEC0]  }
0x10f: {  	v2 =	vadd.f32 v2, v3;
	v3 =	vadd.f32 v15, v62;
	v15 =	vmul.f32 v24, v24;
	v24 =	vld [tilespmem:s29+$0xCE40]  }
0x110: {  	v62 =	vld [tilespmem:s29+$0xE30]  }
0x111: {  	v2 =	vadd.f32 v63, v2;
	v63 =	vld [tilespmem:s29+$0xCE30]  }
0x112: {  	v27 =	vsub.f32 v58, v27;
	v58 =	vld [tilespmem:$0x1FE80]  }
0x113: {  	v1 =	vadd.f32 v52, v1;
	v52 =	vld [tilespmem:s29+$0xD270]  }
0x114: {  	v50 =	vmul.f32 v50, v50;
	[tilespmem:$0x1FE70] =	vst v32;
	v32 =	vld [tilespmem:s29+$0xD230]  }
0x115: {  	v2 =	vadd.f32 v15, v2;
	v15 =	vmul.f32 v40, v40;
	v40 =	vld [tilespmem:$0x1FF60]  }
0x116: {  	v0 =	vadd.f32 v50, v0;
	v50 =	vld [tilespmem:$0x1FEF0]  }
0x117: {  	v3 =	vadd.f32 v19, v3;
	v19 =	vld [tilespmem:s29+$0xCA30]  }
0x118: {  	v1 =	vadd.f32 v48, v1;
	v48 =	vld [tilespmem:$0x1FF50]  }
0x119: {  	v37 =	vmul.f32 v39, v39;
	v3 =	vadd.f32 v33, v3;
	v33 =	vld [tilespmem:s29+$0xD250]  }
0x11a: {  	v45 =	vmul.f32 v45, v45;
	v0 =	vadd.f32 v47, v0;
	v47 =	vld [tilespmem:$0x1FF40]  }
0x11b: {  	v2 =	vadd.f32 v37, v2;
	v37 =	vld [tilespmem:s29+$0xA50]  }
0x11c: {  	v1 =	vadd.f32 v46, v1;
	v46 =	vld [tilespmem:$0x1FF70];
	v0 =	vadd.f32 v45, v0  }
0x11d: {  	v56 =	vmul.f32 v54, v54;
	v54 =	vld [tilespmem:s29+$0xE00]  }
0x11e: {  	v44 =	vmul.f32 v44, v44;
	v39 =	vmul.f32 v41, v41;
	v45 =	vld [tilespmem:s29+$0x1270];
	v0 =	vadd.f32 v43, v0  }
0x11f: {  	v3 =	vadd.f32 v38, v3;
	v2 =	vadd.f32 v15, v2;
	v38 =	vld [tilespmem:s29+$0xCA50];
	v41 =	vmul.f32 v40, v40  }
0x120: {  	v15 =	vld [tilespmem:s29+$0xCA10];
	v1 =	vadd.f32 v44, v1;
	v0 =	vadd.f32 v7, v0  }
0x121: {  	v44 =	vld [tilespmem:s29+$0x1210];
	v10 =	vmul.f32 v47, v47;
	v2 =	vadd.f32 v41, v2  }
0x122: {  	v40 =	vld [tilespmem:s29+$0x1220];
	v1 =	vadd.f32 v42, v1;
	v0 =	vadd.f32 v5, v0  }
0x123: {  	v51 =	vmul.f32 v50, v50;
	v50 =	vld [tilespmem:s29+$0xCE60];
	v2 =	vadd.f32 v10, v2  }
0x124: {  	v43 =	vld [tilespmem:s29+$0x1200];
	v1 =	vadd.f32 v6, v1;
	v0 =	vadd.f32 v13, v0  }
0x125: {  	v3 =	vadd.f32 v39, v3;
	v39 =	vld [tilespmem:s29+$0x1230]  }
0x126: {  	v41 =	vld [tilespmem:s29+$0xD210];
	v2 =	vadd.f32 v51, v2;
	[tilespmem:$0x1FF90] =	vst v0;
	v0 =	vadd.f32 v14, v1  }
0x127: {  	v1 =	vld [tilespmem:$0x1FDE0]  }
0x128: {  	[tilespmem:$0x1FFA0] =	vst v0;
	v0 =	vadd.f32 v56, v2;
	v2 =	vld [tilespmem:$0x1FDF0]  }
0x129: {  	v47 =	vld [tilespmem:s29+$0xCE50]  }
0x12a: {  	v42 =	vld [tilespmem:$0x1FE10]  }
0x12b: {  	v33 =	vsub.f32 v55, v33;
	v55 =	vld [tilespmem:s25+$0xC630]  }
0x12c: {  	v4 =	vmul.f32 v46, v46;
	v46 =	vld [tilespmem:s29+$0xD260]  }
0x12d: {  	v5 =	vsub.f32 v1, v2;
	v2 =	vld [tilespmem:$0x1FE00]  }
0x12e: {  	v7 =	vld [tilespmem:s25+$0xC650]  }
0x12f: {  	v10 =	vld [tilespmem:s29+$0xCA70]  }
0x130: {  	v6 =	vld [tilespmem:s25+$0x660]  }
0x131: {  	v3 =	vadd.f32 v4, v3;
	v4 =	vmul.f32 v48, v48;
	v48 =	vld [tilespmem:s29+$0xE60]  }
0x132: {  	v2 =	vsub.f32 v2, v42;
	v42 =	vld [tilespmem:$0x1FE20]  }
0x133: {  	v51 =	vld [tilespmem:s29+$0xE70]  }
0x134: {  	v31 =	vsub.f32 v43, v31;
	v43 =	vld [tilespmem:s25+$0xC620]  }
0x135: {  	v3 =	vadd.f32 v4, v3;
	v4 =	vmul.f32 v53, v53;
	v53 =	vld [tilespmem:s29+$0xCE70]  }
0x136: {  	v13 =	vld [tilespmem:s29+$0xCA60]  }
0x137: {  	v28 =	vsub.f32 v42, v28;
	v42 =	vld [tilespmem:$0x1FE40]  }
0x138: {  	v47 =	vsub.f32 v29, v47;
	v29 =	vld [tilespmem:s25+$0x260]  }
0x139: {  	v46 =	vsub.f32 v49, v46;
	v49 =	vld [tilespmem:s25+$0x630]  }
0x13a: {  	v3 =	vadd.f32 v4, v3;
	v4 =	vmul.f32 v57, v57;
	v57 =	vld [tilespmem:s29+$0xE10]  }
0x13b: {  	v14 =	vld [tilespmem:s29+$0xA60]  }
0x13c: {  	v36 =	vsub.f32 v36, v42;
	v42 =	vld [tilespmem:$0x1FE50]  }
0x13d: {  	v34 =	vsub.f32 v40, v34;
	[tilespmem:$0x1FF40] =	vst v46;
	v46 =	vld [tilespmem:s25+$0x620];
	v40 =	vsub.f32 v48, v50  }
0x13e: {  	v50 =	vsub.f32 v22, v21;
	v21 =	vsub.f32 v62, v63;
	v62 =	vld [tilespmem:s25+$0x200]  }
0x13f: {  	v63 =	vld [tilespmem:s25+$0x210]  }
0x140: {  	v56 =	vld [tilespmem:s29+$0xCE00]  }
0x141: {  	[tilespmem:$0x1FFB0] =	vst v0;
	v0 =	vadd.f32 v4, v3;
	v26 =	vsub.f32 v42, v26;
	v42 =	vld [tilespmem:$0x1FE60]  }
0x142: {  	v3 =	vld [tilespmem:s25+$0xC660]  }
0x143: {  	[tilespmem:$0x1FFC0] =	vst v0;
	v0 =	vld [tilespmem:s25+$0xC640]  }
0x144: {  	v4 =	vld [tilespmem:s25+$0x670]  }
0x145: {  	v1 =	vld [tilespmem:s25+$0xC670]  }
0x146: {  	v44 =	vsub.f32 v44, v41;
	v35 =	vsub.f32 v42, v35;
	v42 =	vld [tilespmem:$0x1FE70]  }
0x147: {  	v41 =	vsub.f32 v51, v53;
	v48 =	vsub.f32 v54, v56;
	v56 =	vld [tilespmem:s25+$0x250]  }
0x148: {  	[tilespmem:$0x1FF60] =	vst v34;
	v51 =	vsub.f32 v57, v59;
	v59 =	vsub.f32 v20, v0;
	v0 =	vld [tilespmem:s25+$0xC200]  }
0x149: {  	v34 =	vsub.f32 v18, v16;
	v23 =	vsub.f32 v23, v10;
	[tilespmem:$0x1FEC0] =	vst v28;
	v28 =	vld [tilespmem:s25+$0x600]  }
0x14a: {  	v53 =	vsub.f32 v37, v38;
	v57 =	vsub.f32 v9, v15;
	[tilespmem:$0x1FEE0] =	vst v36;
	v36 =	vld [tilespmem:s25+$0xC600]  }
0x14b: {  	p0 =	sne.s32 s24, $0xF;
	v54 =	vsub.f32 v12, v11;
	[tilespmem:$0x1FEF0] =	vst v35;
	v35 =	vld [tilespmem:s25+$0x610];
	v42 =	vsub.f32 v42, v58  }
.Ltmp0:
0x14c: {  	v58 =	vsub.f32 v45, v52;
	v45 =	vsub.f32 v30, v24;
	v52 =	vld [tilespmem:s25+$0x240];
	(pc) =	sbr.rel @p0 .LBB2_3-.Ltmp0, $4  }
0x14d: {  	v24 =	vsub.f32 v39, v32;
	v39 =	vsub.f32 v60, v61;
	v60 =	vld [tilespmem:s25+$0xC250]  }
0x14e: {  	v37 =	vsub.f32 v6, v3;
	v38 =	vsub.f32 v4, v1;
	v30 =	vld [tilespmem:s25+$0xC260];
	[tilespmem:$0x1FF20] =	vst v42  }
0x14f: {  	v32 =	vsub.f32 v17, v19;
	v61 =	vsub.f32 v8, v7;
	v42 =	vld [tilespmem:s25+$0xC610];
	[tilespmem:$0x1FF50] =	vst v58  }
0x150: {  	s24 =	sadd.s32 $0x1, s24;
	[tilespmem:$0x1FF70] =	vst v24;
	v58 =	vld [tilespmem:s25+$0xC240];
	v24 =	vsub.f32 v14, v13;
	v13 =	vmul.f32 v5, v5;
	v14 =	vmul.f32 v2, v2  }
0x151: {  	v1 =	vld [tilespmem:s25+$0xC210]  }
0x152: {  	v3 =	vmul.f32 v25, v25;
	v4 =	vmul.f32 v26, v26;
	v5 =	vld [tilespmem:s25+$0x220]  }
0x153: {  	v7 =	vmul.f32 v27, v27;
	v8 =	vmul.f32 v33, v33;
	v9 =	vld [tilespmem:s25+$0xC220]  }
0x154: {  	v11 =	vmul.f32 v31, v31;
	v12 =	vmul.f32 v44, v44;
	v15 =	vld [tilespmem:s25+$0x230]  }
0x155: {  	v2 =	vsub.f32 v28, v36;
	v17 =	vmul.f32 v45, v45;
	v18 =	vmul.f32 v47, v47;
	v19 =	vld [tilespmem:s25+$0xC230]  }
0x156: {  	v10 =	vsub.f32 v46, v43;
	v22 =	vmul.f32 v48, v48;
	v25 =	vmul.f32 v51, v51;
	v47 =	vld [tilespmem:s25+$0x270]  }
0x157: {  	v16 =	vsub.f32 v49, v55;
	v48 =	vmul.f32 v50, v50;
	v49 =	vmul.f32 v53, v53;
	v50 =	vld [tilespmem:s25+$0xC270]  }
0x158: {  	v0 =	vsub.f32 v62, v0;
	v51 =	vmul.f32 v54, v54;
	v54 =	vmul.f32 v61, v61;
	v61 =	vld [tilespmem:$0x1FFA0]  }
0x159: {  	v53 =	vmul.f32 v59, v59;
	v62 =	vld [tilespmem:$0x1FFB0];
	v46 =	vsub.f32 v56, v60;
	v2 =	vmul.f32 v2, v2  }
0x15a: {  	v60 =	vld [tilespmem:$0x1FF90];
	v0 =	vmul.f32 v0, v0;
	v10 =	vmul.f32 v10, v10;
	v6 =	vsub.f32 v35, v42  }
0x15b: {  	v20 =	vsub.f32 v52, v58;
	v52 =	vmul.f32 v57, v57;
	v1 =	vsub.f32 v63, v1;
	v63 =	vld [tilespmem:$0x1FFC0]  }
0x15c: {  	v57 =	vmul.f32 v46, v46;
	v5 =	vsub.f32 v5, v9;
	v55 =	vsub.f32 v15, v19  }
0x15d: {  	v58 =	vsub.f32 v29, v30;
	v56 =	vmul.f32 v20, v20;
	v1 =	vmul.f32 v1, v1  }
0x15e: {  	v59 =	vsub.f32 v47, v50;
	v5 =	vmul.f32 v5, v5;
	v9 =	vmul.f32 v55, v55  }
0x15f: {  	v0 =	vadd.f32 v0, v60;
	v20 =	vmul.f32 v58, v58;
	v1 =	vadd.f32 v1, v61  }
0x160: {  	v26 =	vmul.f32 v59, v59;
	v5 =	vadd.f32 v5, v62;
	v9 =	vadd.f32 v9, v63  }
0x161: {  	v6 =	vmul.f32 v6, v6;
	v0 =	vadd.f32 v56, v0;
	v1 =	vadd.f32 v57, v1  }
0x162: {  	v30 =	vmul.f32 v16, v16;
	v5 =	vadd.f32 v20, v5;
	v9 =	vadd.f32 v26, v9  }
0x163: {  	v33 =	vmul.f32 v37, v37;
	v0 =	vadd.f32 v2, v0;
	v1 =	vadd.f32 v6, v1  }
0x164: {  	v38 =	vmul.f32 v38, v38;
	v5 =	vadd.f32 v10, v5;
	v37 =	vadd.f32 v30, v9  }
0x165: {  	v43 =	vmul.f32 v34, v34;
	v0 =	vadd.f32 v53, v0;
	v1 =	vadd.f32 v54, v1  }
0x166: {  	v45 =	vmul.f32 v32, v32;
	v2 =	vadd.f32 v33, v5;
	v44 =	vadd.f32 v38, v37  }
0x167: {  	v46 =	vmul.f32 v24, v24;
	v0 =	vadd.f32 v51, v0;
	v1 =	vadd.f32 v52, v1  }
0x168: {  	v47 =	vmul.f32 v23, v23;
	v53 =	vld [tilespmem:$0x1FF70];
	v2 =	vadd.f32 v43, v2;
	v5 =	vadd.f32 v45, v44  }
0x169: {  	v0 =	vadd.f32 v48, v0;
	v48 =	vmul.f32 v39, v39;
	v52 =	vld [tilespmem:$0x1FF60];
	v1 =	vadd.f32 v49, v1  }
0x16a: {  	v54 =	vld [tilespmem:$0x1FF40];
	v2 =	vadd.f32 v46, v2;
	v49 =	vmul.f32 v21, v21;
	v5 =	vadd.f32 v47, v5  }
0x16b: {  	v50 =	vmul.f32 v40, v40;
	v55 =	vld [tilespmem:$0x1FF50];
	v0 =	vadd.f32 v22, v0;
	v1 =	vadd.f32 v25, v1  }
0x16c: {  	v56 =	vld [tilespmem:$0x1FEF0];
	v51 =	vmul.f32 v41, v41;
	v2 =	vadd.f32 v48, v2;
	v5 =	vadd.f32 v49, v5  }
0x16d: {  	v57 =	vld [tilespmem:$0x1FF20];
	v6 =	vmul.f32 v53, v53;
	v0 =	vadd.f32 v17, v0;
	v1 =	vadd.f32 v18, v1  }
0x16e: {  	v58 =	vld [tilespmem:$0x1FEC0];
	v10 =	vmul.f32 v52, v52;
	v2 =	vadd.f32 v50, v2;
	v5 =	vadd.f32 v51, v5  }
0x16f: {  	v60 =	vld [tilespmem:$0x1FEE0];
	v9 =	vmul.f32 v54, v54;
	v0 =	vadd.f32 v11, v0;
	v1 =	vadd.f32 v12, v1  }
0x170: {  	v2 =	vadd.f32 v10, v2;
	v5 =	vadd.f32 v6, v5;
	v6 =	vmul.f32 v55, v55  }
0x171: {  	v0 =	vadd.f32 v7, v0;
	v7 =	vmul.f32 v56, v56;
	v1 =	vadd.f32 v8, v1  }
0x172: {  	v2 =	vadd.f32 v9, v2;
	v5 =	vadd.f32 v6, v5;
	v6 =	vmul.f32 v57, v57  }
0x173: {  	v0 =	vadd.f32 v3, v0;
	v3 =	vmul.f32 v58, v58;
	v1 =	vadd.f32 v4, v1  }
0x174: {  	v2 =	vadd.f32 v7, v2;
	v59 =	vadd.f32 v6, v5;
	v5 =	vmul.f32 v60, v60  }
0x175: {  	v0 =	vadd.f32 v13, v0;
	v1 =	vadd.f32 v14, v1  }
0x176: {  	v2 =	vadd.f32 v3, v2;
	v61 =	vadd.f32 v5, v59  }
0x177: {  	v63 =	vld [tilespmem:$0x1FE90]  }
0x178: {  	s21 =	sadd.s32 $0x1, s21;
	v0 =	vadd.f32 v1, v0;
	v62 =	vadd.f32 v61, v2  }
0x179: {  	p0 =	sne.s32 s21, $0x20  }
.Ltmp1:
0x17a: {  	v0 =	vadd.f32 v62, v0;
	(pc) =	sbr.rel @p0 .LBB2_2-.Ltmp1, $3  }
0x17b: {  	_ = 	snop  }
0x17c: {  	v0 =	vadd.f32 v0, v63;
	_ =	sdelay $0x1  }
0x17d: {  	[tilespmem:$0x18200] =	vst v0  }
0x17e: {  	s20 =	sadd.s32 $0x1, s20  }
0x17f: {  	p0 =	sne.s32 s20, s13  }
.Ltmp2:
0x180: {  	_ = 	snop;
	(pc) =	sbr.rel @p0 .LBB2_1-.Ltmp2, $4  }
0x181: {  	[hbm4b:s12+s4] =	stream.linear.scatter [tilespmem:s18], [sflag:$0xA], $0x80, $0x38;
	[tilespmem:$0x18280] =	vst v63  }
0x182: {  	_ =	swait.ge [sflag:s19], $0x80  }
0x183: {  	[sflag:s19] =	ssyncset.done $0x0  }
0x184: {  	[sflag:s19] =	ssyncadd.s32 $0xFFFFFF80  }
0x185: {  	_ =	sfence.sel $0x180000  }
0x186: {  	[bflag:$0x0] =	sbarrier.arrive $0xFFFF  }
0x187: {  	_ =	strace $0x90000047  }
0x188: {  	s0 =	stileid.u32;
	[bflag:$0x2] =	sbarrier.arrive $0xFFFF  }
0x189: {  	p0 =	sne.s32 s0, $0x0;
	s0 =	rddreg [dreg:$0x3]  }
0x18a: {  	s0 =	sadd.s32 @!p0 $0x100000, s0  }
0x18b: {  	[sflag:s0] =	ssyncadd.tile.s32 @!p0 $0x1;
	_ =	shalt  }
.Lfunc_end2:
_tile_overlayer_lowered:
.L_overlay_start_2:
0x18c: {  	(tag) =	ssettag $0x2  }
0x18d: {  	s0 =	rddreg [dreg:$0x0];
	s2 =	stileid.u32  }
0x18e: {  	s1 =	rddreg [dreg:$0x1];
	p0 =	sne.s32 s2, $0x0  }
0x18f: {  	s3 =	rddreg [dreg:$0x2];
	[bflag:$0x3] =	sbarrier.arrive $0xFFFF;
	s2 =	simm.s32 @!p0 $0x1C0B  }
0x190: {  	[timem:s3], [sflag:s2] =	dma.local @!p0 [hbm:s0], s1  }
0x191: {  	s0 =	simm.s32 @!p0 $0xB  }
0x192: {  	_ =	swait.ge @!p0 [sflag:s0], s1  }
0x193: {  	s1 =	ssub.s32 @!p0 $0x0, s1;
	[sflag:s0] =	ssyncset.done @!p0 $0x0  }
0x194: {  	[sflag:s0] =	ssyncadd.s32 @!p0 s1  }
0x195: {  	[bflag:$0x3] =	sbarrier.arrive $0xFFFF  }
0x196: {  	_ =	shalt  }

</sc_bundles>
